<compile_context>
chip_gen: v7x
topology: tpu7x:2x2x1
jax: 0.10.2.dev20260603
libtpu: 0.0.44.dev20260713+nightly
codegen_flags: <defaults>
</compile_context>

<pallas_src>
import functools
import jax
import jax.numpy as jnp
from jax import lax
from jax.experimental import pallas as pl
from jax.experimental.pallas import tpu as pltpu
from jax.experimental.pallas import tpu_sc as plsc

H = 512
W = 512
C = 17
P = H * W
NW = 32
RPW = H // NW
CH = 128
NCH = RPW * (W // CH)
NB = 3
L = 16


def _chunk_slices(wid, r):
    row = wid * RPW + (r >> 2)
    w0 = (r & 3) * CH
    return row, w0, row * W + w0


def _start_inputs(wid, r, b, hm_hbm, off_hbm, hm_v, off_v, hm_s, off_s):
    row, w0, _ = _chunk_slices(wid, r)
    pltpu.make_async_copy(hm_hbm.at[0, row, pl.ds(w0, CH)], hm_v[b], hm_s[b]).start()
    pltpu.make_async_copy(off_hbm.at[0, row, pl.ds(w0, CH)], off_v[b], off_s[b]).start()


def _round(r, b, wid, iota, hm_hbm, off_hbm, out_hbm,
           hm_v, off_v, out_v, hm_s, off_s, out_s):
    row, w0, base_p = _chunk_slices(wid, r)

    pltpu.make_async_copy(hm_hbm.at[0, row, pl.ds(w0, CH)], hm_v[b], hm_s[b]).wait()
    pltpu.make_async_copy(off_hbm.at[0, row, pl.ds(w0, CH)], off_v[b], off_s[b]).wait()

    rn = r + NB - 1

    @pl.when(rn < NCH)
    def _():
        _start_inputs(
            wid, rn, (b + NB - 1) % NB, hm_hbm, off_hbm, hm_v, off_v, hm_s, off_s
        )

    @pl.when(r >= 1)
    def _():
        _, _, base_pp = _chunk_slices(wid, r - 1)
        pltpu.make_async_copy(
            out_v, out_hbm.at[0, pl.ds(base_pp, CH)], out_s
        ).wait()

    def body(j, _):
        p_loc = j * L + iota
        c0 = jnp.zeros((L,), jnp.int32)
        best = plsc.load_gather(hm_v[b], [p_loc, c0])
        bestc = c0
        for c in range(1, C):
            v = plsc.load_gather(hm_v[b], [p_loc, c0 + c])
            gt = v > best
            best = jnp.where(gt, v, best)
            bestc = jnp.where(gt, jnp.full((L,), c, jnp.int32), bestc)
        score = 1.0 / (1.0 + jnp.exp(-best))

        y_off = plsc.load_gather(off_v[b], [p_loc, bestc])
        x_off = plsc.load_gather(off_v[b], [p_loc, bestc + C])

        px = (w0 + p_loc).astype(jnp.float32)
        py = jnp.full((L,), 4.0, jnp.float32) * row
        xv = (px * 4.0 + x_off).astype(jnp.int32).astype(jnp.float32)
        yv = (py + y_off).astype(jnp.int32).astype(jnp.float32)

        plsc.store_scatter(out_v, [p_loc, c0], bestc.astype(jnp.float32))
        plsc.store_scatter(out_v, [p_loc, c0 + 1], score)
        plsc.store_scatter(out_v, [p_loc, c0 + 2], xv)
        plsc.store_scatter(out_v, [p_loc, c0 + 3], yv)
        return 0

    lax.fori_loop(0, CH // L, body, 0)

    pltpu.make_async_copy(out_v, out_hbm.at[0, pl.ds(base_p, CH)], out_s).start()


def _sc_body(
    hm_hbm, off_hbm, out_hbm,
    hm_v0, hm_v1, hm_v2, off_v0, off_v1, off_v2, out_v,
    hm_s0, hm_s1, hm_s2, off_s0, off_s1, off_s2, out_s,
):
    wid = lax.axis_index("s") * 2 + lax.axis_index("c")
    iota = lax.iota(jnp.int32, L)
    hm_v = (hm_v0, hm_v1, hm_v2)
    off_v = (off_v0, off_v1, off_v2)
    hm_s = (hm_s0, hm_s1, hm_s2)
    off_s = (off_s0, off_s1, off_s2)

    for r0 in range(NB - 1):
        _start_inputs(wid, r0, r0 % NB, hm_hbm, off_hbm, hm_v, off_v, hm_s, off_s)

    def outer(step, _):
        for b in range(NB):
            r = step * NB + b
            _round(r, b, wid, iota, hm_hbm, off_hbm, out_hbm,
                   hm_v, off_v, out_v, hm_s, off_s, out_s)
        return 0

    lax.fori_loop(0, NCH // NB, outer, 0)

    r_last = (NCH // NB) * NB
    _round(r_last, r_last % NB, wid, iota, hm_hbm, off_hbm, out_hbm,
           hm_v, off_v, out_v, hm_s, off_s, out_s)
    _, _, base_pp = _chunk_slices(wid, NCH - 1)
    pltpu.make_async_copy(out_v, out_hbm.at[0, pl.ds(base_pp, CH)], out_s).wait()


def kernel(heatmaps_input, offsets_input):
    k = functools.partial(
        pl.kernel,
        out_type=jax.ShapeDtypeStruct((1, P, 4), jnp.float32),
        scratch_types=[
            pltpu.VMEM((CH, C), jnp.float32),
            pltpu.VMEM((CH, C), jnp.float32),
            pltpu.VMEM((CH, C), jnp.float32),
            pltpu.VMEM((CH, 2 * C), jnp.float32),
            pltpu.VMEM((CH, 2 * C), jnp.float32),
            pltpu.VMEM((CH, 2 * C), jnp.float32),
            pltpu.VMEM((CH, 4), jnp.float32),
            pltpu.SemaphoreType.DMA,
            pltpu.SemaphoreType.DMA,
            pltpu.SemaphoreType.DMA,
            pltpu.SemaphoreType.DMA,
            pltpu.SemaphoreType.DMA,
            pltpu.SemaphoreType.DMA,
            pltpu.SemaphoreType.DMA,
        ],
        mesh=plsc.VectorSubcoreMesh(core_axis_name="c", subcore_axis_name="s"),
        compiler_params=pltpu.CompilerParams(
            use_tc_tiling_on_sc=True, needs_layout_passes=False
        ),
    )(_sc_body)
    return k(heatmaps_input, offsets_input)

# --- scband reference (transcript-rebuilt; emitter-appended) ---
"""Pipeline reference for scband-model-82789789598332 (READ-ONLY COPY).

The authoritative reference and input builder live on the scoring server;
editing this copy changes nothing except your own understanding.
"""

import jax, jax.numpy as jnp
import numpy as np

STRIDES = 4

def setup_inputs(seed: int = 0) -> dict:
    key = jax.random.key(seed)
    k1, k2 = jax.random.split(key)
    heatmaps_input = jax.random.normal(k1, (1, 512, 512, 17), dtype=jnp.float32)
    offsets_input = jax.random.normal(k2, (1, 512, 512, 34), dtype=jnp.float32)
    return {"heatmaps_input": heatmaps_input, "offsets_input": offsets_input}


def reference(heatmaps_input, offsets_input):
    strides = STRIDES
    # permute(0, 3, 1, 2)
    hm = jnp.transpose(heatmaps_input, (0, 3, 1, 2))   # (B, 17, H, W)
    off = jnp.transpose(offsets_input, (0, 3, 1, 2))   # (B, 34, H, W)
    B = hm.shape[0]
    H = hm.shape[2]
    W = hm.shape[3]
    # torch.meshgrid default indexing is 'ij'
    base_y, base_x = jnp.meshgrid(
        jnp.arange(0, H * strides, strides, dtype=jnp.float32),
        jnp.arange(0, W * strides, strides, dtype=jnp.float32),
        indexing='ij')
    # reshape(B,1,H,W).repeat(B,17,1,1) -- only valid for B==1, faithful to original
    base_points_y = jnp.tile(base_y.reshape(B, 1, H, W), (B, 17, 1, 1))
    base_points_x = jnp.tile(base_x.reshape(B, 1, H, W), (B, 17, 1, 1))
    y_offsets = off[:, 0:17, ...]
    x_offsets = off[:, 17:34, ...]
    base_points_y = base_points_y + y_offsets
    base_points_x = base_points_x + x_offsets
    base_points_x = base_points_x.reshape(B, 17, H, W, 1)
    base_points_y = base_points_y.reshape(B, 17, H, W, 1)
    bkhw_xy = jnp.concatenate([base_points_x, base_points_y], axis=4)
    # torch .to(torch.int64) truncates toward zero; use int32 (jax default config has no x64)
    bkhw_xy = bkhw_xy.astype(jnp.int32)
    argmax_hm = jnp.argmax(hm, axis=1, keepdims=True)  # (B, 1, H, W)
    n, c, h, w = argmax_hm.shape
    argmaxed_classids = argmax_hm.reshape(n, c * h * w, 1).astype(jnp.float32)
    expanded_indices = jnp.broadcast_to(argmax_hm.reshape(n, c, h, w, 1), (n, c, h, w, 2))
    extracted_tensor = jnp.take_along_axis(bkhw_xy, expanded_indices, axis=1)  # (B,1,H,W,2)
    n2, c2, h2, w2, xy = extracted_tensor.shape
    reshaped_tensor = extracted_tensor.reshape(n2, c2 * h2 * w2, xy).astype(jnp.float32)
    scores = jax.nn.sigmoid(jnp.take_along_axis(hm, argmax_hm, axis=1).reshape(n, c * h * w, 1))
    combined_tensor = jnp.concatenate((argmaxed_classids, scores, reshaped_tensor), axis=2)
    return combined_tensor

if __name__ == "__main__":
    import jax
    _d = setup_inputs()
    print(jax.jit(kernel)(*tuple(_d.values())))

</pallas_src>

<mosaic_0001>
#map = affine_map<(d0, d1) -> (0, 0, 0, 0)>
#map1 = affine_map<(d0, d1) -> (0, 0, 0)>
module attributes {stable_mosaic.version = 14 : i64} {
  func.func @_sc_body(%arg0: i32, %arg1: i32, %arg2: memref<1x512x512x17xf32, #tpu.memory_space<hbm>>, %arg3: memref<1x512x512x34xf32, #tpu.memory_space<hbm>>, %arg4: memref<1x262144x4xf32, #tpu.memory_space<hbm>>, %arg5: memref<128x17xf32, #tpu.memory_space<vmem>>, %arg6: memref<128x17xf32, #tpu.memory_space<vmem>>, %arg7: memref<128x17xf32, #tpu.memory_space<vmem>>, %arg8: memref<128x34xf32, #tpu.memory_space<vmem>>, %arg9: memref<128x34xf32, #tpu.memory_space<vmem>>, %arg10: memref<128x34xf32, #tpu.memory_space<vmem>>, %arg11: memref<128x4xf32, #tpu.memory_space<vmem>>, %arg12: memref<!tpu.dma_semaphore, #tpu.memory_space<semaphore_mem>>, %arg13: memref<!tpu.dma_semaphore, #tpu.memory_space<semaphore_mem>>, %arg14: memref<!tpu.dma_semaphore, #tpu.memory_space<semaphore_mem>>, %arg15: memref<!tpu.dma_semaphore, #tpu.memory_space<semaphore_mem>>, %arg16: memref<!tpu.dma_semaphore, #tpu.memory_space<semaphore_mem>>, %arg17: memref<!tpu.dma_semaphore, #tpu.memory_space<semaphore_mem>>, %arg18: memref<!tpu.dma_semaphore, #tpu.memory_space<semaphore_mem>>) attributes {dimension_semantics = [#tpu.dimension_semantics<core_parallel>, #tpu.dimension_semantics<subcore_parallel>], iteration_bounds = array<i64: 2, 16>, scalar_prefetch = 0 : i64, scratch_operands = 14 : i64, tpu.core_type = #tpu.core_type<sc_vector_subcore>, window_params = [{transform_indices = #map}, {transform_indices = #map}, {transform_indices = #map1}]} {
    %mul3A = arith.constant 2 : i32
    %mul3A_0 = arith.muli %arg1, %mul3A : i32
    %add3A = arith.addi %mul3A_0, %arg0 : i32
    %iota3A = tpu.iota {dimensions = array<i32: 0>} : vector<16xi32>
    %mul3A_1 = arith.constant 16 : i32
    %mul3A_2 = arith.muli %add3A, %mul3A_1 : i32
    %add3A_3 = arith.constant 0 : i32
    %add3A_4 = arith.addi %mul3A_2, %add3A_3 : i32
    %mul3A_5 = arith.constant 512 : i32
    %mul3A_6 = arith.muli %add3A_4, %mul3A_5 : i32
    %add3A_7 = arith.constant 0 : i32
    %add3A_8 = arith.addi %mul3A_6, %add3A_7 : i32
    %dma_start3A = arith.constant 0 : i32
    %dma_start3A_9 = arith.constant 0 : i32
    %dma_start3A_10 = arith.constant 0 : i32
    %dma_start3A_11 = tpu.memref_slice %arg2[%dma_start3A, %add3A_4, %dma_start3A_9, %dma_start3A_10] : memref<1x512x512x17xf32, #tpu.memory_space<hbm>> -> memref<1x1x128x17xf32, #tpu.memory_space<hbm>>
    %dma_start3A_12 = tpu.memref_squeeze %dma_start3A_11 : memref<1x1x128x17xf32, #tpu.memory_space<hbm>> -> memref<128x17xf32, #tpu.memory_space<hbm>>
    %dma_start3A_13 = arith.constant 0 : i32
    %dma_start3A_14 = arith.constant 0 : i32
    %dma_start3A_15 = tpu.memref_slice %arg2[%dma_start3A, %add3A_4, %dma_start3A_13, %dma_start3A_14] : memref<1x512x512x17xf32, #tpu.memory_space<hbm>> -> memref<1x1x128x17xf32, #tpu.memory_space<hbm>>
    %dma_start3A_16 = tpu.memref_squeeze %dma_start3A_15 : memref<1x1x128x17xf32, #tpu.memory_space<hbm>> -> memref<128x17xf32, #tpu.memory_space<hbm>>
    tpu.enqueue_dma source(%dma_start3A_16 : memref<128x17xf32, #tpu.memory_space<hbm>>) target(%arg5 : memref<128x17xf32, #tpu.memory_space<vmem>>) target_semaphore(%arg12 : memref<!tpu.dma_semaphore, #tpu.memory_space<semaphore_mem>>)
    %dma_start3A_17 = arith.constant 0 : i32
    %dma_start3A_18 = arith.constant 0 : i32
    %dma_start3A_19 = arith.constant 0 : i32
    %dma_start3A_20 = tpu.memref_slice %arg3[%dma_start3A_17, %add3A_4, %dma_start3A_18, %dma_start3A_19] : memref<1x512x512x34xf32, #tpu.memory_space<hbm>> -> memref<1x1x128x34xf32, #tpu.memory_space<hbm>>
    %dma_start3A_21 = tpu.memref_squeeze %dma_start3A_20 : memref<1x1x128x34xf32, #tpu.memory_space<hbm>> -> memref<128x34xf32, #tpu.memory_space<hbm>>
    %dma_start3A_22 = arith.constant 0 : i32
    %dma_start3A_23 = arith.constant 0 : i32
    %dma_start3A_24 = tpu.memref_slice %arg3[%dma_start3A_17, %add3A_4, %dma_start3A_22, %dma_start3A_23] : memref<1x512x512x34xf32, #tpu.memory_space<hbm>> -> memref<1x1x128x34xf32, #tpu.memory_space<hbm>>
    %dma_start3A_25 = tpu.memref_squeeze %dma_start3A_24 : memref<1x1x128x34xf32, #tpu.memory_space<hbm>> -> memref<128x34xf32, #tpu.memory_space<hbm>>
    tpu.enqueue_dma source(%dma_start3A_25 : memref<128x34xf32, #tpu.memory_space<hbm>>) target(%arg8 : memref<128x34xf32, #tpu.memory_space<vmem>>) target_semaphore(%arg15 : memref<!tpu.dma_semaphore, #tpu.memory_space<semaphore_mem>>)
    %mul3A_26 = arith.constant 16 : i32
    %mul3A_27 = arith.muli %add3A, %mul3A_26 : i32
    %add3A_28 = arith.constant 0 : i32
    %add3A_29 = arith.addi %mul3A_27, %add3A_28 : i32
    %mul3A_30 = arith.constant 512 : i32
    %mul3A_31 = arith.muli %add3A_29, %mul3A_30 : i32
    %add3A_32 = arith.constant 128 : i32
    %add3A_33 = arith.addi %mul3A_31, %add3A_32 : i32
    %dma_start3A_34 = arith.constant 0 : i32
    %dma_start3A_35 = arith.constant 128 : i32
    %dma_start3A_36 = arith.constant 0 : i32
    %dma_start3A_37 = tpu.memref_slice %arg2[%dma_start3A_34, %add3A_29, %dma_start3A_35, %dma_start3A_36] : memref<1x512x512x17xf32, #tpu.memory_space<hbm>> -> memref<1x1x128x17xf32, #tpu.memory_space<hbm>>
    %dma_start3A_38 = tpu.memref_squeeze %dma_start3A_37 : memref<1x1x128x17xf32, #tpu.memory_space<hbm>> -> memref<128x17xf32, #tpu.memory_space<hbm>>
    %dma_start3A_39 = arith.constant 128 : i32
    %dma_start3A_40 = arith.constant 0 : i32
    %dma_start3A_41 = tpu.memref_slice %arg2[%dma_start3A_34, %add3A_29, %dma_start3A_39, %dma_start3A_40] : memref<1x512x512x17xf32, #tpu.memory_space<hbm>> -> memref<1x1x128x17xf32, #tpu.memory_space<hbm>>
    %dma_start3A_42 = tpu.memref_squeeze %dma_start3A_41 : memref<1x1x128x17xf32, #tpu.memory_space<hbm>> -> memref<128x17xf32, #tpu.memory_space<hbm>>
    tpu.enqueue_dma source(%dma_start3A_42 : memref<128x17xf32, #tpu.memory_space<hbm>>) target(%arg6 : memref<128x17xf32, #tpu.memory_space<vmem>>) target_semaphore(%arg13 : memref<!tpu.dma_semaphore, #tpu.memory_space<semaphore_mem>>)
    %dma_start3A_43 = arith.constant 0 : i32
    %dma_start3A_44 = arith.constant 128 : i32
    %dma_start3A_45 = arith.constant 0 : i32
    %dma_start3A_46 = tpu.memref_slice %arg3[%dma_start3A_43, %add3A_29, %dma_start3A_44, %dma_start3A_45] : memref<1x512x512x34xf32, #tpu.memory_space<hbm>> -> memref<1x1x128x34xf32, #tpu.memory_space<hbm>>
    %dma_start3A_47 = tpu.memref_squeeze %dma_start3A_46 : memref<1x1x128x34xf32, #tpu.memory_space<hbm>> -> memref<128x34xf32, #tpu.memory_space<hbm>>
    %dma_start3A_48 = arith.constant 128 : i32
    %dma_start3A_49 = arith.constant 0 : i32
    %dma_start3A_50 = tpu.memref_slice %arg3[%dma_start3A_43, %add3A_29, %dma_start3A_48, %dma_start3A_49] : memref<1x512x512x34xf32, #tpu.memory_space<hbm>> -> memref<1x1x128x34xf32, #tpu.memory_space<hbm>>
    %dma_start3A_51 = tpu.memref_squeeze %dma_start3A_50 : memref<1x1x128x34xf32, #tpu.memory_space<hbm>> -> memref<128x34xf32, #tpu.memory_space<hbm>>
    tpu.enqueue_dma source(%dma_start3A_51 : memref<128x34xf32, #tpu.memory_space<hbm>>) target(%arg9 : memref<128x34xf32, #tpu.memory_space<vmem>>) target_semaphore(%arg16 : memref<!tpu.dma_semaphore, #tpu.memory_space<semaphore_mem>>)
    %scan3A = arith.constant 0 : i32
    %scan3A_52 = arith.constant 0 : i32
    %scan3A_53 = arith.constant 21 : i32
    %scan3A_54 = arith.addi %scan3A_52, %scan3A_53 : i32
    %scan3A_55 = arith.constant 1 : i32
    %scan3A_56 = scf.for %scan3A_127 = %scan3A_52 to %scan3A_54 step %scan3A_55 iter_args(%scan3A_128 = %scan3A) -> (i32)  : i32 {
      %mul3A_129 = arith.constant 3 : i32
      %mul3A_130 = arith.muli %scan3A_127, %mul3A_129 : i32
      %add3A_131 = arith.constant 0 : i32
      %add3A_132 = arith.addi %mul3A_130, %add3A_131 : i32
      %mul3A_133 = arith.constant 16 : i32
      %mul3A_134 = arith.muli %add3A, %mul3A_133 : i32
      %shift_right_arithmetic3A = arith.constant 2 : i32
      %shift_right_arithmetic3A_135 = arith.shrsi %add3A_132, %shift_right_arithmetic3A : i32
      %add3A_136 = arith.addi %mul3A_134, %shift_right_arithmetic3A_135 : i32
      %and3A = arith.constant 3 : i32
      %and3A_137 = arith.andi %add3A_132, %and3A : i32
      %mul3A_138 = arith.constant 128 : i32
      %mul3A_139 = arith.muli %and3A_137, %mul3A_138 : i32
      %mul3A_140 = arith.constant 512 : i32
      %mul3A_141 = arith.muli %add3A_136, %mul3A_140 : i32
      %add3A_142 = arith.addi %mul3A_141, %mul3A_139 : i32
      %dma_wait3A_143 = arith.constant 0 : i32
      %dma_wait3A_144 = arith.constant 0 : i32
      %dma_wait3A_145 = tpu.memref_slice %arg2[%dma_wait3A_143, %add3A_136, %mul3A_139, %dma_wait3A_144] : memref<1x512x512x17xf32, #tpu.memory_space<hbm>> -> memref<1x1x128x17xf32, #tpu.memory_space<hbm>>
      %dma_wait3A_146 = tpu.memref_squeeze %dma_wait3A_145 : memref<1x1x128x17xf32, #tpu.memory_space<hbm>> -> memref<128x17xf32, #tpu.memory_space<hbm>>
      %dma_wait3A_147 = arith.constant 0 : i32
      %dma_wait3A_148 = tpu.memref_slice %arg2[%dma_wait3A_143, %add3A_136, %mul3A_139, %dma_wait3A_147] : memref<1x512x512x17xf32, #tpu.memory_space<hbm>> -> memref<1x1x128x17xf32, #tpu.memory_space<hbm>>
      %dma_wait3A_149 = tpu.memref_squeeze %dma_wait3A_148 : memref<1x1x128x17xf32, #tpu.memory_space<hbm>> -> memref<128x17xf32, #tpu.memory_space<hbm>>
      tpu.wait_dma2 semaphore(%arg12 : memref<!tpu.dma_semaphore, #tpu.memory_space<semaphore_mem>>) src(%dma_wait3A_149 : memref<128x17xf32, #tpu.memory_space<hbm>>) dst(%arg5 : memref<128x17xf32, #tpu.memory_space<vmem>>)
      %dma_wait3A_150 = arith.constant 0 : i32
      %dma_wait3A_151 = arith.constant 0 : i32
      %dma_wait3A_152 = tpu.memref_slice %arg3[%dma_wait3A_150, %add3A_136, %mul3A_139, %dma_wait3A_151] : memref<1x512x512x34xf32, #tpu.memory_space<hbm>> -> memref<1x1x128x34xf32, #tpu.memory_space<hbm>>
      %dma_wait3A_153 = tpu.memref_squeeze %dma_wait3A_152 : memref<1x1x128x34xf32, #tpu.memory_space<hbm>> -> memref<128x34xf32, #tpu.memory_space<hbm>>
      %dma_wait3A_154 = arith.constant 0 : i32
      %dma_wait3A_155 = tpu.memref_slice %arg3[%dma_wait3A_150, %add3A_136, %mul3A_139, %dma_wait3A_154] : memref<1x512x512x34xf32, #tpu.memory_space<hbm>> -> memref<1x1x128x34xf32, #tpu.memory_space<hbm>>
      %dma_wait3A_156 = tpu.memref_squeeze %dma_wait3A_155 : memref<1x1x128x34xf32, #tpu.memory_space<hbm>> -> memref<128x34xf32, #tpu.memory_space<hbm>>
      tpu.wait_dma2 semaphore(%arg15 : memref<!tpu.dma_semaphore, #tpu.memory_space<semaphore_mem>>) src(%dma_wait3A_156 : memref<128x34xf32, #tpu.memory_space<hbm>>) dst(%arg8 : memref<128x34xf32, #tpu.memory_space<vmem>>)
      %add3A_157 = arith.constant 3 : i32
      %add3A_158 = arith.addi %add3A_132, %add3A_157 : i32
      %sub3A = arith.constant 1 : i32
      %sub3A_159 = arith.subi %add3A_158, %sub3A : i32
      %lt3A = arith.constant 64 : i32
      %lt3A_160 = arith.cmpi slt, %sub3A_159, %lt3A : i32
      %convert_element_type3A = arith.extui %lt3A_160 : i1 to i32
      %cond3A = arith.constant 0 : i32
      %cond3A_161 = arith.cmpi ne, %convert_element_type3A, %cond3A : i32
      scf.if %cond3A_161 {
        %mul3A_297 = arith.constant 16 : i32
        %mul3A_298 = arith.muli %add3A, %mul3A_297 : i32
        %shift_right_arithmetic3A_299 = arith.constant 2 : i32
        %shift_right_arithmetic3A_300 = arith.shrsi %sub3A_159, %shift_right_arithmetic3A_299 : i32
        %add3A_301 = arith.addi %mul3A_298, %shift_right_arithmetic3A_300 : i32
        %and3A_302 = arith.constant 3 : i32
        %and3A_303 = arith.andi %sub3A_159, %and3A_302 : i32
        %mul3A_304 = arith.constant 128 : i32
        %mul3A_305 = arith.muli %and3A_303, %mul3A_304 : i32
        %mul3A_306 = arith.constant 512 : i32
        %mul3A_307 = arith.muli %add3A_301, %mul3A_306 : i32
        %add3A_308 = arith.addi %mul3A_307, %mul3A_305 : i32
        %dma_start3A_309 = arith.constant 0 : i32
        %dma_start3A_310 = arith.constant 0 : i32
        %dma_start3A_311 = tpu.memref_slice %arg2[%dma_start3A_309, %add3A_301, %mul3A_305, %dma_start3A_310] : memref<1x512x512x17xf32, #tpu.memory_space<hbm>> -> memref<1x1x128x17xf32, #tpu.memory_space<hbm>>
        %dma_start3A_312 = tpu.memref_squeeze %dma_start3A_311 : memref<1x1x128x17xf32, #tpu.memory_space<hbm>> -> memref<128x17xf32, #tpu.memory_space<hbm>>
        %dma_start3A_313 = arith.constant 0 : i32
        %dma_start3A_314 = tpu.memref_slice %arg2[%dma_start3A_309, %add3A_301, %mul3A_305, %dma_start3A_313] : memref<1x512x512x17xf32, #tpu.memory_space<hbm>> -> memref<1x1x128x17xf32, #tpu.memory_space<hbm>>
        %dma_start3A_315 = tpu.memref_squeeze %dma_start3A_314 : memref<1x1x128x17xf32, #tpu.memory_space<hbm>> -> memref<128x17xf32, #tpu.memory_space<hbm>>
        tpu.enqueue_dma source(%dma_start3A_315 : memref<128x17xf32, #tpu.memory_space<hbm>>) target(%arg7 : memref<128x17xf32, #tpu.memory_space<vmem>>) target_semaphore(%arg14 : memref<!tpu.dma_semaphore, #tpu.memory_space<semaphore_mem>>)
        %dma_start3A_316 = arith.constant 0 : i32
        %dma_start3A_317 = arith.constant 0 : i32
        %dma_start3A_318 = tpu.memref_slice %arg3[%dma_start3A_316, %add3A_301, %mul3A_305, %dma_start3A_317] : memref<1x512x512x34xf32, #tpu.memory_space<hbm>> -> memref<1x1x128x34xf32, #tpu.memory_space<hbm>>
        %dma_start3A_319 = tpu.memref_squeeze %dma_start3A_318 : memref<1x1x128x34xf32, #tpu.memory_space<hbm>> -> memref<128x34xf32, #tpu.memory_space<hbm>>
        %dma_start3A_320 = arith.constant 0 : i32
        %dma_start3A_321 = tpu.memref_slice %arg3[%dma_start3A_316, %add3A_301, %mul3A_305, %dma_start3A_320] : memref<1x512x512x34xf32, #tpu.memory_space<hbm>> -> memref<1x1x128x34xf32, #tpu.memory_space<hbm>>
        %dma_start3A_322 = tpu.memref_squeeze %dma_start3A_321 : memref<1x1x128x34xf32, #tpu.memory_space<hbm>> -> memref<128x34xf32, #tpu.memory_space<hbm>>
        tpu.enqueue_dma source(%dma_start3A_322 : memref<128x34xf32, #tpu.memory_space<hbm>>) target(%arg10 : memref<128x34xf32, #tpu.memory_space<vmem>>) target_semaphore(%arg17 : memref<!tpu.dma_semaphore, #tpu.memory_space<semaphore_mem>>)
      } else {
      }
      %ge3A = arith.constant 1 : i32
      %ge3A_162 = arith.cmpi sge, %add3A_132, %ge3A : i32
      %convert_element_type3A_163 = arith.extui %ge3A_162 : i1 to i32
      %cond3A_164 = arith.constant 0 : i32
      %cond3A_165 = arith.cmpi ne, %convert_element_type3A_163, %cond3A_164 : i32
      scf.if %cond3A_165 {
        %sub3A_297 = arith.constant 1 : i32
        %sub3A_298 = arith.subi %add3A_132, %sub3A_297 : i32
        %mul3A_299 = arith.constant 16 : i32
        %mul3A_300 = arith.muli %add3A, %mul3A_299 : i32
        %shift_right_arithmetic3A_301 = arith.constant 2 : i32
        %shift_right_arithmetic3A_302 = arith.shrsi %sub3A_298, %shift_right_arithmetic3A_301 : i32
        %add3A_303 = arith.addi %mul3A_300, %shift_right_arithmetic3A_302 : i32
        %and3A_304 = arith.constant 3 : i32
        %and3A_305 = arith.andi %sub3A_298, %and3A_304 : i32
        %mul3A_306 = arith.constant 128 : i32
        %mul3A_307 = arith.muli %and3A_305, %mul3A_306 : i32
        %mul3A_308 = arith.constant 512 : i32
        %mul3A_309 = arith.muli %add3A_303, %mul3A_308 : i32
        %add3A_310 = arith.addi %mul3A_309, %mul3A_307 : i32
        %dma_wait3A_311 = arith.constant 0 : i32
        %dma_wait3A_312 = arith.constant 0 : i32
        %dma_wait3A_313 = tpu.memref_slice %arg4[%dma_wait3A_311, %add3A_310, %dma_wait3A_312] : memref<1x262144x4xf32, #tpu.memory_space<hbm>> -> memref<1x128x4xf32, #tpu.memory_space<hbm>>
        %dma_wait3A_314 = tpu.memref_squeeze %dma_wait3A_313 : memref<1x128x4xf32, #tpu.memory_space<hbm>> -> memref<128x4xf32, #tpu.memory_space<hbm>>
        %dma_wait3A_315 = arith.constant 0 : i32
        %dma_wait3A_316 = tpu.memref_slice %arg4[%dma_wait3A_311, %add3A_310, %dma_wait3A_315] : memref<1x262144x4xf32, #tpu.memory_space<hbm>> -> memref<1x128x4xf32, #tpu.memory_space<hbm>>
        %dma_wait3A_317 = tpu.memref_squeeze %dma_wait3A_316 : memref<1x128x4xf32, #tpu.memory_space<hbm>> -> memref<128x4xf32, #tpu.memory_space<hbm>>
        tpu.wait_dma2 semaphore(%arg18 : memref<!tpu.dma_semaphore, #tpu.memory_space<semaphore_mem>>) src(%arg11 : memref<128x4xf32, #tpu.memory_space<vmem>>) dst(%dma_wait3A_317 : memref<128x4xf32, #tpu.memory_space<hbm>>)
      } else {
      }
      %scan3A_166 = arith.constant 0 : i32
      %scan3A_167 = arith.constant 0 : i32
      %scan3A_168 = arith.constant 8 : i32
      %scan3A_169 = arith.addi %scan3A_167, %scan3A_168 : i32
      %scan3A_170 = arith.constant 1 : i32
      %scan3A_171 = scf.for %scan3A_297 = %scan3A_167 to %scan3A_169 step %scan3A_170 iter_args(%scan3A_298 = %scan3A_166) -> (i32)  : i32 {
        %mul3A_299 = arith.constant 16 : i32
        %mul3A_300 = arith.muli %scan3A_297, %mul3A_299 : i32
        %add3A_301 = vector.broadcast %mul3A_300 : i32 to vector<16xi32>
        %add3A_302 = arith.addi %add3A_301, %iota3A : vector<16xi32>
        %broadcast_in_dim3A = arith.constant 0 : i32
        %broadcast_in_dim3A_303 = vector.broadcast %broadcast_in_dim3A : i32 to vector<16xi32>
        %gather3A = tpu.vector_load_idx %arg5[%add3A_302, %broadcast_in_dim3A_303] : memref<128x17xf32, #tpu.memory_space<vmem>>[vector<16xi32>, vector<16xi32>], vector<16xf32>,
        %add3A_304 = arith.constant 1 : i32
        %add3A_305 = vector.broadcast %add3A_304 : i32 to vector<16xi32>
        %add3A_306 = arith.addi %broadcast_in_dim3A_303, %add3A_305 : vector<16xi32>
        %gather3A_307 = tpu.vector_load_idx %arg5[%add3A_302, %add3A_306] : memref<128x17xf32, #tpu.memory_space<vmem>>[vector<16xi32>, vector<16xi32>], vector<16xf32>,
        %gt3A = arith.cmpf ogt, %gather3A_307, %gather3A : vector<16xf32>
        %select_n3A = arith.select %gt3A, %gather3A_307, %gather3A : vector<16xi1>, vector<16xf32>
        %broadcast_in_dim3A_308 = arith.constant 1 : i32
        %broadcast_in_dim3A_309 = vector.broadcast %broadcast_in_dim3A_308 : i32 to vector<16xi32>
        %select_n3A_310 = arith.select %gt3A, %broadcast_in_dim3A_309, %broadcast_in_dim3A_303 : vector<16xi1>, vector<16xi32>
        %add3A_311 = arith.constant 2 : i32
        %add3A_312 = vector.broadcast %add3A_311 : i32 to vector<16xi32>
        %add3A_313 = arith.addi %broadcast_in_dim3A_303, %add3A_312 : vector<16xi32>
        %gather3A_314 = tpu.vector_load_idx %arg5[%add3A_302, %add3A_313] : memref<128x17xf32, #tpu.memory_space<vmem>>[vector<16xi32>, vector<16xi32>], vector<16xf32>,
        %gt3A_315 = arith.cmpf ogt, %gather3A_314, %select_n3A : vector<16xf32>
        %select_n3A_316 = arith.select %gt3A_315, %gather3A_314, %select_n3A : vector<16xi1>, vector<16xf32>
        %broadcast_in_dim3A_317 = arith.constant 2 : i32
        %broadcast_in_dim3A_318 = vector.broadcast %broadcast_in_dim3A_317 : i32 to vector<16xi32>
        %select_n3A_319 = arith.select %gt3A_315, %broadcast_in_dim3A_318, %select_n3A_310 : vector<16xi1>, vector<16xi32>
        %add3A_320 = arith.constant 3 : i32
        %add3A_321 = vector.broadcast %add3A_320 : i32 to vector<16xi32>
        %add3A_322 = arith.addi %broadcast_in_dim3A_303, %add3A_321 : vector<16xi32>
        %gather3A_323 = tpu.vector_load_idx %arg5[%add3A_302, %add3A_322] : memref<128x17xf32, #tpu.memory_space<vmem>>[vector<16xi32>, vector<16xi32>], vector<16xf32>,
        %gt3A_324 = arith.cmpf ogt, %gather3A_323, %select_n3A_316 : vector<16xf32>
        %select_n3A_325 = arith.select %gt3A_324, %gather3A_323, %select_n3A_316 : vector<16xi1>, vector<16xf32>
        %broadcast_in_dim3A_326 = arith.constant 3 : i32
        %broadcast_in_dim3A_327 = vector.broadcast %broadcast_in_dim3A_326 : i32 to vector<16xi32>
        %select_n3A_328 = arith.select %gt3A_324, %broadcast_in_dim3A_327, %select_n3A_319 : vector<16xi1>, vector<16xi32>
        %add3A_329 = arith.constant 4 : i32
        %add3A_330 = vector.broadcast %add3A_329 : i32 to vector<16xi32>
        %add3A_331 = arith.addi %broadcast_in_dim3A_303, %add3A_330 : vector<16xi32>
        %gather3A_332 = tpu.vector_load_idx %arg5[%add3A_302, %add3A_331] : memref<128x17xf32, #tpu.memory_space<vmem>>[vector<16xi32>, vector<16xi32>], vector<16xf32>,
        %gt3A_333 = arith.cmpf ogt, %gather3A_332, %select_n3A_325 : vector<16xf32>
        %select_n3A_334 = arith.select %gt3A_333, %gather3A_332, %select_n3A_325 : vector<16xi1>, vector<16xf32>
        %broadcast_in_dim3A_335 = arith.constant 4 : i32
        %broadcast_in_dim3A_336 = vector.broadcast %broadcast_in_dim3A_335 : i32 to vector<16xi32>
        %select_n3A_337 = arith.select %gt3A_333, %broadcast_in_dim3A_336, %select_n3A_328 : vector<16xi1>, vector<16xi32>
        %add3A_338 = arith.constant 5 : i32
        %add3A_339 = vector.broadcast %add3A_338 : i32 to vector<16xi32>
        %add3A_340 = arith.addi %broadcast_in_dim3A_303, %add3A_339 : vector<16xi32>
        %gather3A_341 = tpu.vector_load_idx %arg5[%add3A_302, %add3A_340] : memref<128x17xf32, #tpu.memory_space<vmem>>[vector<16xi32>, vector<16xi32>], vector<16xf32>,
        %gt3A_342 = arith.cmpf ogt, %gather3A_341, %select_n3A_334 : vector<16xf32>
        %select_n3A_343 = arith.select %gt3A_342, %gather3A_341, %select_n3A_334 : vector<16xi1>, vector<16xf32>
        %broadcast_in_dim3A_344 = arith.constant 5 : i32
        %broadcast_in_dim3A_345 = vector.broadcast %broadcast_in_dim3A_344 : i32 to vector<16xi32>
        %select_n3A_346 = arith.select %gt3A_342, %broadcast_in_dim3A_345, %select_n3A_337 : vector<16xi1>, vector<16xi32>
        %add3A_347 = arith.constant 6 : i32
        %add3A_348 = vector.broadcast %add3A_347 : i32 to vector<16xi32>
        %add3A_349 = arith.addi %broadcast_in_dim3A_303, %add3A_348 : vector<16xi32>
        %gather3A_350 = tpu.vector_load_idx %arg5[%add3A_302, %add3A_349] : memref<128x17xf32, #tpu.memory_space<vmem>>[vector<16xi32>, vector<16xi32>], vector<16xf32>,
        %gt3A_351 = arith.cmpf ogt, %gather3A_350, %select_n3A_343 : vector<16xf32>
        %select_n3A_352 = arith.select %gt3A_351, %gather3A_350, %select_n3A_343 : vector<16xi1>, vector<16xf32>
        %broadcast_in_dim3A_353 = arith.constant 6 : i32
        %broadcast_in_dim3A_354 = vector.broadcast %broadcast_in_dim3A_353 : i32 to vector<16xi32>
        %select_n3A_355 = arith.select %gt3A_351, %broadcast_in_dim3A_354, %select_n3A_346 : vector<16xi1>, vector<16xi32>
        %add3A_356 = arith.constant 7 : i32
        %add3A_357 = vector.broadcast %add3A_356 : i32 to vector<16xi32>
        %add3A_358 = arith.addi %broadcast_in_dim3A_303, %add3A_357 : vector<16xi32>
        %gather3A_359 = tpu.vector_load_idx %arg5[%add3A_302, %add3A_358] : memref<128x17xf32, #tpu.memory_space<vmem>>[vector<16xi32>, vector<16xi32>], vector<16xf32>,
        %gt3A_360 = arith.cmpf ogt, %gather3A_359, %select_n3A_352 : vector<16xf32>
        %select_n3A_361 = arith.select %gt3A_360, %gather3A_359, %select_n3A_352 : vector<16xi1>, vector<16xf32>
        %broadcast_in_dim3A_362 = arith.constant 7 : i32
        %broadcast_in_dim3A_363 = vector.broadcast %broadcast_in_dim3A_362 : i32 to vector<16xi32>
        %select_n3A_364 = arith.select %gt3A_360, %broadcast_in_dim3A_363, %select_n3A_355 : vector<16xi1>, vector<16xi32>
        %add3A_365 = arith.constant 8 : i32
        %add3A_366 = vector.broadcast %add3A_365 : i32 to vector<16xi32>
        %add3A_367 = arith.addi %broadcast_in_dim3A_303, %add3A_366 : vector<16xi32>
        %gather3A_368 = tpu.vector_load_idx %arg5[%add3A_302, %add3A_367] : memref<128x17xf32, #tpu.memory_space<vmem>>[vector<16xi32>, vector<16xi32>], vector<16xf32>,
        %gt3A_369 = arith.cmpf ogt, %gather3A_368, %select_n3A_361 : vector<16xf32>
        %select_n3A_370 = arith.select %gt3A_369, %gather3A_368, %select_n3A_361 : vector<16xi1>, vector<16xf32>
        %broadcast_in_dim3A_371 = arith.constant 8 : i32
        %broadcast_in_dim3A_372 = vector.broadcast %broadcast_in_dim3A_371 : i32 to vector<16xi32>
        %select_n3A_373 = arith.select %gt3A_369, %broadcast_in_dim3A_372, %select_n3A_364 : vector<16xi1>, vector<16xi32>
        %add3A_374 = arith.constant 9 : i32
        %add3A_375 = vector.broadcast %add3A_374 : i32 to vector<16xi32>
        %add3A_376 = arith.addi %broadcast_in_dim3A_303, %add3A_375 : vector<16xi32>
        %gather3A_377 = tpu.vector_load_idx %arg5[%add3A_302, %add3A_376] : memref<128x17xf32, #tpu.memory_space<vmem>>[vector<16xi32>, vector<16xi32>], vector<16xf32>,
        %gt3A_378 = arith.cmpf ogt, %gather3A_377, %select_n3A_370 : vector<16xf32>
        %select_n3A_379 = arith.select %gt3A_378, %gather3A_377, %select_n3A_370 : vector<16xi1>, vector<16xf32>
        %broadcast_in_dim3A_380 = arith.constant 9 : i32
        %broadcast_in_dim3A_381 = vector.broadcast %broadcast_in_dim3A_380 : i32 to vector<16xi32>
        %select_n3A_382 = arith.select %gt3A_378, %broadcast_in_dim3A_381, %select_n3A_373 : vector<16xi1>, vector<16xi32>
        %add3A_383 = arith.constant 10 : i32
        %add3A_384 = vector.broadcast %add3A_383 : i32 to vector<16xi32>
        %add3A_385 = arith.addi %broadcast_in_dim3A_303, %add3A_384 : vector<16xi32>
        %gather3A_386 = tpu.vector_load_idx %arg5[%add3A_302, %add3A_385] : memref<128x17xf32, #tpu.memory_space<vmem>>[vector<16xi32>, vector<16xi32>], vector<16xf32>,
        %gt3A_387 = arith.cmpf ogt, %gather3A_386, %select_n3A_379 : vector<16xf32>
        %select_n3A_388 = arith.select %gt3A_387, %gather3A_386, %select_n3A_379 : vector<16xi1>, vector<16xf32>
        %broadcast_in_dim3A_389 = arith.constant 10 : i32
        %broadcast_in_dim3A_390 = vector.broadcast %broadcast_in_dim3A_389 : i32 to vector<16xi32>
        %select_n3A_391 = arith.select %gt3A_387, %broadcast_in_dim3A_390, %select_n3A_382 : vector<16xi1>, vector<16xi32>
        %add3A_392 = arith.constant 11 : i32
        %add3A_393 = vector.broadcast %add3A_392 : i32 to vector<16xi32>
        %add3A_394 = arith.addi %broadcast_in_dim3A_303, %add3A_393 : vector<16xi32>
        %gather3A_395 = tpu.vector_load_idx %arg5[%add3A_302, %add3A_394] : memref<128x17xf32, #tpu.memory_space<vmem>>[vector<16xi32>, vector<16xi32>], vector<16xf32>,
        %gt3A_396 = arith.cmpf ogt, %gather3A_395, %select_n3A_388 : vector<16xf32>
        %select_n3A_397 = arith.select %gt3A_396, %gather3A_395, %select_n3A_388 : vector<16xi1>, vector<16xf32>
        %broadcast_in_dim3A_398 = arith.constant 11 : i32
        %broadcast_in_dim3A_399 = vector.broadcast %broadcast_in_dim3A_398 : i32 to vector<16xi32>
        %select_n3A_400 = arith.select %gt3A_396, %broadcast_in_dim3A_399, %select_n3A_391 : vector<16xi1>, vector<16xi32>
        %add3A_401 = arith.constant 12 : i32
        %add3A_402 = vector.broadcast %add3A_401 : i32 to vector<16xi32>
        %add3A_403 = arith.addi %broadcast_in_dim3A_303, %add3A_402 : vector<16xi32>
        %gather3A_404 = tpu.vector_load_idx %arg5[%add3A_302, %add3A_403] : memref<128x17xf32, #tpu.memory_space<vmem>>[vector<16xi32>, vector<16xi32>], vector<16xf32>,
        %gt3A_405 = arith.cmpf ogt, %gather3A_404, %select_n3A_397 : vector<16xf32>
        %select_n3A_406 = arith.select %gt3A_405, %gather3A_404, %select_n3A_397 : vector<16xi1>, vector<16xf32>
        %broadcast_in_dim3A_407 = arith.constant 12 : i32
        %broadcast_in_dim3A_408 = vector.broadcast %broadcast_in_dim3A_407 : i32 to vector<16xi32>
        %select_n3A_409 = arith.select %gt3A_405, %broadcast_in_dim3A_408, %select_n3A_400 : vector<16xi1>, vector<16xi32>
        %add3A_410 = arith.constant 13 : i32
        %add3A_411 = vector.broadcast %add3A_410 : i32 to vector<16xi32>
        %add3A_412 = arith.addi %broadcast_in_dim3A_303, %add3A_411 : vector<16xi32>
        %gather3A_413 = tpu.vector_load_idx %arg5[%add3A_302, %add3A_412] : memref<128x17xf32, #tpu.memory_space<vmem>>[vector<16xi32>, vector<16xi32>], vector<16xf32>,
        %gt3A_414 = arith.cmpf ogt, %gather3A_413, %select_n3A_406 : vector<16xf32>
        %select_n3A_415 = arith.select %gt3A_414, %gather3A_413, %select_n3A_406 : vector<16xi1>, vector<16xf32>
        %broadcast_in_dim3A_416 = arith.constant 13 : i32
        %broadcast_in_dim3A_417 = vector.broadcast %broadcast_in_dim3A_416 : i32 to vector<16xi32>
        %select_n3A_418 = arith.select %gt3A_414, %broadcast_in_dim3A_417, %select_n3A_409 : vector<16xi1>, vector<16xi32>
        %add3A_419 = arith.constant 14 : i32
        %add3A_420 = vector.broadcast %add3A_419 : i32 to vector<16xi32>
        %add3A_421 = arith.addi %broadcast_in_dim3A_303, %add3A_420 : vector<16xi32>
        %gather3A_422 = tpu.vector_load_idx %arg5[%add3A_302, %add3A_421] : memref<128x17xf32, #tpu.memory_space<vmem>>[vector<16xi32>, vector<16xi32>], vector<16xf32>,
        %gt3A_423 = arith.cmpf ogt, %gather3A_422, %select_n3A_415 : vector<16xf32>
        %select_n3A_424 = arith.select %gt3A_423, %gather3A_422, %select_n3A_415 : vector<16xi1>, vector<16xf32>
        %broadcast_in_dim3A_425 = arith.constant 14 : i32
        %broadcast_in_dim3A_426 = vector.broadcast %broadcast_in_dim3A_425 : i32 to vector<16xi32>
        %select_n3A_427 = arith.select %gt3A_423, %broadcast_in_dim3A_426, %select_n3A_418 : vector<16xi1>, vector<16xi32>
        %add3A_428 = arith.constant 15 : i32
        %add3A_429 = vector.broadcast %add3A_428 : i32 to vector<16xi32>
        %add3A_430 = arith.addi %broadcast_in_dim3A_303, %add3A_429 : vector<16xi32>
        %gather3A_431 = tpu.vector_load_idx %arg5[%add3A_302, %add3A_430] : memref<128x17xf32, #tpu.memory_space<vmem>>[vector<16xi32>, vector<16xi32>], vector<16xf32>,
        %gt3A_432 = arith.cmpf ogt, %gather3A_431, %select_n3A_424 : vector<16xf32>
        %select_n3A_433 = arith.select %gt3A_432, %gather3A_431, %select_n3A_424 : vector<16xi1>, vector<16xf32>
        %broadcast_in_dim3A_434 = arith.constant 15 : i32
        %broadcast_in_dim3A_435 = vector.broadcast %broadcast_in_dim3A_434 : i32 to vector<16xi32>
        %select_n3A_436 = arith.select %gt3A_432, %broadcast_in_dim3A_435, %select_n3A_427 : vector<16xi1>, vector<16xi32>
        %add3A_437 = arith.constant 16 : i32
        %add3A_438 = vector.broadcast %add3A_437 : i32 to vector<16xi32>
        %add3A_439 = arith.addi %broadcast_in_dim3A_303, %add3A_438 : vector<16xi32>
        %gather3A_440 = tpu.vector_load_idx %arg5[%add3A_302, %add3A_439] : memref<128x17xf32, #tpu.memory_space<vmem>>[vector<16xi32>, vector<16xi32>], vector<16xf32>,
        %gt3A_441 = arith.cmpf ogt, %gather3A_440, %select_n3A_433 : vector<16xf32>
        %select_n3A_442 = arith.select %gt3A_441, %gather3A_440, %select_n3A_433 : vector<16xi1>, vector<16xf32>
        %broadcast_in_dim3A_443 = arith.constant 16 : i32
        %broadcast_in_dim3A_444 = vector.broadcast %broadcast_in_dim3A_443 : i32 to vector<16xi32>
        %select_n3A_445 = arith.select %gt3A_441, %broadcast_in_dim3A_444, %select_n3A_436 : vector<16xi1>, vector<16xi32>
        %neg3A = arith.constant 0.000000e+00 : f32
        %neg3A_446 = vector.broadcast %neg3A : f32 to vector<16xf32>
        %neg3A_447 = arith.subf %neg3A_446, %select_n3A_442 : vector<16xf32>
        %exp3A = math.exp %neg3A_447 : vector<16xf32>
        %add3A_448 = arith.constant 1.000000e+00 : f32
        %add3A_449 = vector.broadcast %add3A_448 : f32 to vector<16xf32>
        %add3A_450 = arith.addf %add3A_449, %exp3A : vector<16xf32>
        %div3A = arith.constant 1.000000e+00 : f32
        %div3A_451 = vector.broadcast %div3A : f32 to vector<16xf32>
        %div3A_452 = arith.divf %div3A_451, %add3A_450 : vector<16xf32>
        %gather3A_453 = tpu.vector_load_idx %arg8[%add3A_302, %select_n3A_445] : memref<128x34xf32, #tpu.memory_space<vmem>>[vector<16xi32>, vector<16xi32>], vector<16xf32>,
        %add3A_454 = arith.constant 17 : i32
        %add3A_455 = vector.broadcast %add3A_454 : i32 to vector<16xi32>
        %add3A_456 = arith.addi %select_n3A_445, %add3A_455 : vector<16xi32>
        %gather3A_457 = tpu.vector_load_idx %arg8[%add3A_302, %add3A_456] : memref<128x34xf32, #tpu.memory_space<vmem>>[vector<16xi32>, vector<16xi32>], vector<16xf32>,
        %add3A_458 = vector.broadcast %mul3A_139 : i32 to vector<16xi32>
        %add3A_459 = arith.addi %add3A_458, %add3A_302 : vector<16xi32>
        %convert_element_type3A_460 = arith.sitofp %add3A_459 : vector<16xi32> to vector<16xf32>
        %broadcast_in_dim3A_461 = arith.constant 4.000000e+00 : f32
        %broadcast_in_dim3A_462 = vector.broadcast %broadcast_in_dim3A_461 : f32 to vector<16xf32>
        %convert_element_type3A_463 = arith.sitofp %add3A_136 : i32 to f32
        %mul3A_464 = vector.broadcast %convert_element_type3A_463 : f32 to vector<16xf32>
        %mul3A_465 = arith.mulf %broadcast_in_dim3A_462, %mul3A_464 : vector<16xf32>
        %mul3A_466 = arith.constant 4.000000e+00 : f32
        %mul3A_467 = vector.broadcast %mul3A_466 : f32 to vector<16xf32>
        %mul3A_468 = arith.mulf %convert_element_type3A_460, %mul3A_467 : vector<16xf32>
        %add3A_469 = arith.addf %mul3A_468, %gather3A_457 : vector<16xf32>
        %convert_element_type3A_470 = arith.fptosi %add3A_469 : vector<16xf32> to vector<16xi32>
        %convert_element_type3A_471 = arith.sitofp %convert_element_type3A_470 : vector<16xi32> to vector<16xf32>
        %add3A_472 = arith.addf %mul3A_465, %gather3A_453 : vector<16xf32>
        %convert_element_type3A_473 = arith.fptosi %add3A_472 : vector<16xf32> to vector<16xi32>
        %convert_element_type3A_474 = arith.sitofp %convert_element_type3A_473 : vector<16xi32> to vector<16xf32>
        %convert_element_type3A_475 = arith.sitofp %select_n3A_445 : vector<16xi32> to vector<16xf32>
        tpu.vector_store_idx %arg11[%add3A_302, %broadcast_in_dim3A_303], %convert_element_type3A_475 : memref<128x4xf32, #tpu.memory_space<vmem>>[vector<16xi32>, vector<16xi32>], vector<16xf32>,
        %add3A_476 = arith.constant 1 : i32
        %add3A_477 = vector.broadcast %add3A_476 : i32 to vector<16xi32>
        %add3A_478 = arith.addi %broadcast_in_dim3A_303, %add3A_477 : vector<16xi32>
        tpu.vector_store_idx %arg11[%add3A_302, %add3A_478], %div3A_452 : memref<128x4xf32, #tpu.memory_space<vmem>>[vector<16xi32>, vector<16xi32>], vector<16xf32>,
        %add3A_479 = arith.constant 2 : i32
        %add3A_480 = vector.broadcast %add3A_479 : i32 to vector<16xi32>
        %add3A_481 = arith.addi %broadcast_in_dim3A_303, %add3A_480 : vector<16xi32>
        tpu.vector_store_idx %arg11[%add3A_302, %add3A_481], %convert_element_type3A_471 : memref<128x4xf32, #tpu.memory_space<vmem>>[vector<16xi32>, vector<16xi32>], vector<16xf32>,
        %add3A_482 = arith.constant 3 : i32
        %add3A_483 = vector.broadcast %add3A_482 : i32 to vector<16xi32>
        %add3A_484 = arith.addi %broadcast_in_dim3A_303, %add3A_483 : vector<16xi32>
        tpu.vector_store_idx %arg11[%add3A_302, %add3A_484], %convert_element_type3A_474 : memref<128x4xf32, #tpu.memory_space<vmem>>[vector<16xi32>, vector<16xi32>], vector<16xf32>,
        %scan3A_485 = arith.constant 0 : i32
        scf.yield %scan3A_485 : i32
      }
      %scan3A_172 = arith.constant 8 : i32
      %dma_start3A_173 = arith.constant 0 : i32
      %dma_start3A_174 = arith.constant 0 : i32
      %dma_start3A_175 = tpu.memref_slice %arg4[%dma_start3A_173, %add3A_142, %dma_start3A_174] : memref<1x262144x4xf32, #tpu.memory_space<hbm>> -> memref<1x128x4xf32, #tpu.memory_space<hbm>>
      %dma_start3A_176 = tpu.memref_squeeze %dma_start3A_175 : memref<1x128x4xf32, #tpu.memory_space<hbm>> -> memref<128x4xf32, #tpu.memory_space<hbm>>
      %dma_start3A_177 = arith.constant 0 : i32
      %dma_start3A_178 = tpu.memref_slice %arg4[%dma_start3A_173, %add3A_142, %dma_start3A_177] : memref<1x262144x4xf32, #tpu.memory_space<hbm>> -> memref<1x128x4xf32, #tpu.memory_space<hbm>>
      %dma_start3A_179 = tpu.memref_squeeze %dma_start3A_178 : memref<1x128x4xf32, #tpu.memory_space<hbm>> -> memref<128x4xf32, #tpu.memory_space<hbm>>
      tpu.enqueue_dma source(%arg11 : memref<128x4xf32, #tpu.memory_space<vmem>>) target(%dma_start3A_179 : memref<128x4xf32, #tpu.memory_space<hbm>>) target_semaphore(%arg18 : memref<!tpu.dma_semaphore, #tpu.memory_space<semaphore_mem>>)
      %mul3A_180 = arith.constant 3 : i32
      %mul3A_181 = arith.muli %scan3A_127, %mul3A_180 : i32
      %add3A_182 = arith.constant 1 : i32
      %add3A_183 = arith.addi %mul3A_181, %add3A_182 : i32
      %mul3A_184 = arith.constant 16 : i32
      %mul3A_185 = arith.muli %add3A, %mul3A_184 : i32
      %shift_right_arithmetic3A_186 = arith.constant 2 : i32
      %shift_right_arithmetic3A_187 = arith.shrsi %add3A_183, %shift_right_arithmetic3A_186 : i32
      %add3A_188 = arith.addi %mul3A_185, %shift_right_arithmetic3A_187 : i32
      %and3A_189 = arith.constant 3 : i32
      %and3A_190 = arith.andi %add3A_183, %and3A_189 : i32
      %mul3A_191 = arith.constant 128 : i32
      %mul3A_192 = arith.muli %and3A_190, %mul3A_191 : i32
      %mul3A_193 = arith.constant 512 : i32
      %mul3A_194 = arith.muli %add3A_188, %mul3A_193 : i32
      %add3A_195 = arith.addi %mul3A_194, %mul3A_192 : i32
      %dma_wait3A_196 = arith.constant 0 : i32
      %dma_wait3A_197 = arith.constant 0 : i32
      %dma_wait3A_198 = tpu.memref_slice %arg2[%dma_wait3A_196, %add3A_188, %mul3A_192, %dma_wait3A_197] : memref<1x512x512x17xf32, #tpu.memory_space<hbm>> -> memref<1x1x128x17xf32, #tpu.memory_space<hbm>>
      %dma_wait3A_199 = tpu.memref_squeeze %dma_wait3A_198 : memref<1x1x128x17xf32, #tpu.memory_space<hbm>> -> memref<128x17xf32, #tpu.memory_space<hbm>>
      %dma_wait3A_200 = arith.constant 0 : i32
      %dma_wait3A_201 = tpu.memref_slice %arg2[%dma_wait3A_196, %add3A_188, %mul3A_192, %dma_wait3A_200] : memref<1x512x512x17xf32, #tpu.memory_space<hbm>> -> memref<1x1x128x17xf32, #tpu.memory_space<hbm>>
      %dma_wait3A_202 = tpu.memref_squeeze %dma_wait3A_201 : memref<1x1x128x17xf32, #tpu.memory_space<hbm>> -> memref<128x17xf32, #tpu.memory_space<hbm>>
      tpu.wait_dma2 semaphore(%arg13 : memref<!tpu.dma_semaphore, #tpu.memory_space<semaphore_mem>>) src(%dma_wait3A_202 : memref<128x17xf32, #tpu.memory_space<hbm>>) dst(%arg6 : memref<128x17xf32, #tpu.memory_space<vmem>>)
      %dma_wait3A_203 = arith.constant 0 : i32
      %dma_wait3A_204 = arith.constant 0 : i32
      %dma_wait3A_205 = tpu.memref_slice %arg3[%dma_wait3A_203, %add3A_188, %mul3A_192, %dma_wait3A_204] : memref<1x512x512x34xf32, #tpu.memory_space<hbm>> -> memref<1x1x128x34xf32, #tpu.memory_space<hbm>>
      %dma_wait3A_206 = tpu.memref_squeeze %dma_wait3A_205 : memref<1x1x128x34xf32, #tpu.memory_space<hbm>> -> memref<128x34xf32, #tpu.memory_space<hbm>>
      %dma_wait3A_207 = arith.constant 0 : i32
      %dma_wait3A_208 = tpu.memref_slice %arg3[%dma_wait3A_203, %add3A_188, %mul3A_192, %dma_wait3A_207] : memref<1x512x512x34xf32, #tpu.memory_space<hbm>> -> memref<1x1x128x34xf32, #tpu.memory_space<hbm>>
      %dma_wait3A_209 = tpu.memref_squeeze %dma_wait3A_208 : memref<1x1x128x34xf32, #tpu.memory_space<hbm>> -> memref<128x34xf32, #tpu.memory_space<hbm>>
      tpu.wait_dma2 semaphore(%arg16 : memref<!tpu.dma_semaphore, #tpu.memory_space<semaphore_mem>>) src(%dma_wait3A_209 : memref<128x34xf32, #tpu.memory_space<hbm>>) dst(%arg9 : memref<128x34xf32, #tpu.memory_space<vmem>>)
      %add3A_210 = arith.constant 3 : i32
      %add3A_211 = arith.addi %add3A_183, %add3A_210 : i32
      %sub3A_212 = arith.constant 1 : i32
      %sub3A_213 = arith.subi %add3A_211, %sub3A_212 : i32
      %lt3A_214 = arith.constant 64 : i32
      %lt3A_215 = arith.cmpi slt, %sub3A_213, %lt3A_214 : i32
      %convert_element_type3A_216 = arith.extui %lt3A_215 : i1 to i32
      %cond3A_217 = arith.constant 0 : i32
      %cond3A_218 = arith.cmpi ne, %convert_element_type3A_216, %cond3A_217 : i32
      scf.if %cond3A_218 {
        %mul3A_297 = arith.constant 16 : i32
        %mul3A_298 = arith.muli %add3A, %mul3A_297 : i32
        %shift_right_arithmetic3A_299 = arith.constant 2 : i32
        %shift_right_arithmetic3A_300 = arith.shrsi %sub3A_213, %shift_right_arithmetic3A_299 : i32
        %add3A_301 = arith.addi %mul3A_298, %shift_right_arithmetic3A_300 : i32
        %and3A_302 = arith.constant 3 : i32
        %and3A_303 = arith.andi %sub3A_213, %and3A_302 : i32
        %mul3A_304 = arith.constant 128 : i32
        %mul3A_305 = arith.muli %and3A_303, %mul3A_304 : i32
        %mul3A_306 = arith.constant 512 : i32
        %mul3A_307 = arith.muli %add3A_301, %mul3A_306 : i32
        %add3A_308 = arith.addi %mul3A_307, %mul3A_305 : i32
        %dma_start3A_309 = arith.constant 0 : i32
        %dma_start3A_310 = arith.constant 0 : i32
        %dma_start3A_311 = tpu.memref_slice %arg2[%dma_start3A_309, %add3A_301, %mul3A_305, %dma_start3A_310] : memref<1x512x512x17xf32, #tpu.memory_space<hbm>> -> memref<1x1x128x17xf32, #tpu.memory_space<hbm>>
        %dma_start3A_312 = tpu.memref_squeeze %dma_start3A_311 : memref<1x1x128x17xf32, #tpu.memory_space<hbm>> -> memref<128x17xf32, #tpu.memory_space<hbm>>
        %dma_start3A_313 = arith.constant 0 : i32
        %dma_start3A_314 = tpu.memref_slice %arg2[%dma_start3A_309, %add3A_301, %mul3A_305, %dma_start3A_313] : memref<1x512x512x17xf32, #tpu.memory_space<hbm>> -> memref<1x1x128x17xf32, #tpu.memory_space<hbm>>
        %dma_start3A_315 = tpu.memref_squeeze %dma_start3A_314 : memref<1x1x128x17xf32, #tpu.memory_space<hbm>> -> memref<128x17xf32, #tpu.memory_space<hbm>>
        tpu.enqueue_dma source(%dma_start3A_315 : memref<128x17xf32, #tpu.memory_space<hbm>>) target(%arg5 : memref<128x17xf32, #tpu.memory_space<vmem>>) target_semaphore(%arg12 : memref<!tpu.dma_semaphore, #tpu.memory_space<semaphore_mem>>)
        %dma_start3A_316 = arith.constant 0 : i32
        %dma_start3A_317 = arith.constant 0 : i32
        %dma_start3A_318 = tpu.memref_slice %arg3[%dma_start3A_316, %add3A_301, %mul3A_305, %dma_start3A_317] : memref<1x512x512x34xf32, #tpu.memory_space<hbm>> -> memref<1x1x128x34xf32, #tpu.memory_space<hbm>>
        %dma_start3A_319 = tpu.memref_squeeze %dma_start3A_318 : memref<1x1x128x34xf32, #tpu.memory_space<hbm>> -> memref<128x34xf32, #tpu.memory_space<hbm>>
        %dma_start3A_320 = arith.constant 0 : i32
        %dma_start3A_321 = tpu.memref_slice %arg3[%dma_start3A_316, %add3A_301, %mul3A_305, %dma_start3A_320] : memref<1x512x512x34xf32, #tpu.memory_space<hbm>> -> memref<1x1x128x34xf32, #tpu.memory_space<hbm>>
        %dma_start3A_322 = tpu.memref_squeeze %dma_start3A_321 : memref<1x1x128x34xf32, #tpu.memory_space<hbm>> -> memref<128x34xf32, #tpu.memory_space<hbm>>
        tpu.enqueue_dma source(%dma_start3A_322 : memref<128x34xf32, #tpu.memory_space<hbm>>) target(%arg8 : memref<128x34xf32, #tpu.memory_space<vmem>>) target_semaphore(%arg15 : memref<!tpu.dma_semaphore, #tpu.memory_space<semaphore_mem>>)
      } else {
      }
      %ge3A_219 = arith.constant 1 : i32
      %ge3A_220 = arith.cmpi sge, %add3A_183, %ge3A_219 : i32
      %convert_element_type3A_221 = arith.extui %ge3A_220 : i1 to i32
      %cond3A_222 = arith.constant 0 : i32
      %cond3A_223 = arith.cmpi ne, %convert_element_type3A_221, %cond3A_222 : i32
      scf.if %cond3A_223 {
        %sub3A_297 = arith.constant 1 : i32
        %sub3A_298 = arith.subi %add3A_183, %sub3A_297 : i32
        %mul3A_299 = arith.constant 16 : i32
        %mul3A_300 = arith.muli %add3A, %mul3A_299 : i32
        %shift_right_arithmetic3A_301 = arith.constant 2 : i32
        %shift_right_arithmetic3A_302 = arith.shrsi %sub3A_298, %shift_right_arithmetic3A_301 : i32
        %add3A_303 = arith.addi %mul3A_300, %shift_right_arithmetic3A_302 : i32
        %and3A_304 = arith.constant 3 : i32
        %and3A_305 = arith.andi %sub3A_298, %and3A_304 : i32
        %mul3A_306 = arith.constant 128 : i32
        %mul3A_307 = arith.muli %and3A_305, %mul3A_306 : i32
        %mul3A_308 = arith.constant 512 : i32
        %mul3A_309 = arith.muli %add3A_303, %mul3A_308 : i32
        %add3A_310 = arith.addi %mul3A_309, %mul3A_307 : i32
        %dma_wait3A_311 = arith.constant 0 : i32
        %dma_wait3A_312 = arith.constant 0 : i32
        %dma_wait3A_313 = tpu.memref_slice %arg4[%dma_wait3A_311, %add3A_310, %dma_wait3A_312] : memref<1x262144x4xf32, #tpu.memory_space<hbm>> -> memref<1x128x4xf32, #tpu.memory_space<hbm>>
        %dma_wait3A_314 = tpu.memref_squeeze %dma_wait3A_313 : memref<1x128x4xf32, #tpu.memory_space<hbm>> -> memref<128x4xf32, #tpu.memory_space<hbm>>
        %dma_wait3A_315 = arith.constant 0 : i32
        %dma_wait3A_316 = tpu.memref_slice %arg4[%dma_wait3A_311, %add3A_310, %dma_wait3A_315] : memref<1x262144x4xf32, #tpu.memory_space<hbm>> -> memref<1x128x4xf32, #tpu.memory_space<hbm>>
        %dma_wait3A_317 = tpu.memref_squeeze %dma_wait3A_316 : memref<1x128x4xf32, #tpu.memory_space<hbm>> -> memref<128x4xf32, #tpu.memory_space<hbm>>
        tpu.wait_dma2 semaphore(%arg18 : memref<!tpu.dma_semaphore, #tpu.memory_space<semaphore_mem>>) src(%arg11 : memref<128x4xf32, #tpu.memory_space<vmem>>) dst(%dma_wait3A_317 : memref<128x4xf32, #tpu.memory_space<hbm>>)
      } else {
      }
      %scan3A_224 = arith.constant 0 : i32
      %scan3A_225 = arith.constant 0 : i32
      %scan3A_226 = arith.constant 8 : i32
      %scan3A_227 = arith.addi %scan3A_225, %scan3A_226 : i32
      %scan3A_228 = arith.constant 1 : i32
      %scan3A_229 = scf.for %scan3A_297 = %scan3A_225 to %scan3A_227 step %scan3A_228 iter_args(%scan3A_298 = %scan3A_224) -> (i32)  : i32 {
        %mul3A_299 = arith.constant 16 : i32
        %mul3A_300 = arith.muli %scan3A_297, %mul3A_299 : i32
        %add3A_301 = vector.broadcast %mul3A_300 : i32 to vector<16xi32>
        %add3A_302 = arith.addi %add3A_301, %iota3A : vector<16xi32>
        %broadcast_in_dim3A = arith.constant 0 : i32
        %broadcast_in_dim3A_303 = vector.broadcast %broadcast_in_dim3A : i32 to vector<16xi32>
        %gather3A = tpu.vector_load_idx %arg6[%add3A_302, %broadcast_in_dim3A_303] : memref<128x17xf32, #tpu.memory_space<vmem>>[vector<16xi32>, vector<16xi32>], vector<16xf32>,
        %add3A_304 = arith.constant 1 : i32
        %add3A_305 = vector.broadcast %add3A_304 : i32 to vector<16xi32>
        %add3A_306 = arith.addi %broadcast_in_dim3A_303, %add3A_305 : vector<16xi32>
        %gather3A_307 = tpu.vector_load_idx %arg6[%add3A_302, %add3A_306] : memref<128x17xf32, #tpu.memory_space<vmem>>[vector<16xi32>, vector<16xi32>], vector<16xf32>,
        %gt3A = arith.cmpf ogt, %gather3A_307, %gather3A : vector<16xf32>
        %select_n3A = arith.select %gt3A, %gather3A_307, %gather3A : vector<16xi1>, vector<16xf32>
        %broadcast_in_dim3A_308 = arith.constant 1 : i32
        %broadcast_in_dim3A_309 = vector.broadcast %broadcast_in_dim3A_308 : i32 to vector<16xi32>
        %select_n3A_310 = arith.select %gt3A, %broadcast_in_dim3A_309, %broadcast_in_dim3A_303 : vector<16xi1>, vector<16xi32>
        %add3A_311 = arith.constant 2 : i32
        %add3A_312 = vector.broadcast %add3A_311 : i32 to vector<16xi32>
        %add3A_313 = arith.addi %broadcast_in_dim3A_303, %add3A_312 : vector<16xi32>
        %gather3A_314 = tpu.vector_load_idx %arg6[%add3A_302, %add3A_313] : memref<128x17xf32, #tpu.memory_space<vmem>>[vector<16xi32>, vector<16xi32>], vector<16xf32>,
        %gt3A_315 = arith.cmpf ogt, %gather3A_314, %select_n3A : vector<16xf32>
        %select_n3A_316 = arith.select %gt3A_315, %gather3A_314, %select_n3A : vector<16xi1>, vector<16xf32>
        %broadcast_in_dim3A_317 = arith.constant 2 : i32
        %broadcast_in_dim3A_318 = vector.broadcast %broadcast_in_dim3A_317 : i32 to vector<16xi32>
        %select_n3A_319 = arith.select %gt3A_315, %broadcast_in_dim3A_318, %select_n3A_310 : vector<16xi1>, vector<16xi32>
        %add3A_320 = arith.constant 3 : i32
        %add3A_321 = vector.broadcast %add3A_320 : i32 to vector<16xi32>
        %add3A_322 = arith.addi %broadcast_in_dim3A_303, %add3A_321 : vector<16xi32>
        %gather3A_323 = tpu.vector_load_idx %arg6[%add3A_302, %add3A_322] : memref<128x17xf32, #tpu.memory_space<vmem>>[vector<16xi32>, vector<16xi32>], vector<16xf32>,
        %gt3A_324 = arith.cmpf ogt, %gather3A_323, %select_n3A_316 : vector<16xf32>
        %select_n3A_325 = arith.select %gt3A_324, %gather3A_323, %select_n3A_316 : vector<16xi1>, vector<16xf32>
        %broadcast_in_dim3A_326 = arith.constant 3 : i32
        %broadcast_in_dim3A_327 = vector.broadcast %broadcast_in_dim3A_326 : i32 to vector<16xi32>
        %select_n3A_328 = arith.select %gt3A_324, %broadcast_in_dim3A_327, %select_n3A_319 : vector<16xi1>, vector<16xi32>
        %add3A_329 = arith.constant 4 : i32
        %add3A_330 = vector.broadcast %add3A_329 : i32 to vector<16xi32>
        %add3A_331 = arith.addi %broadcast_in_dim3A_303, %add3A_330 : vector<16xi32>
        %gather3A_332 = tpu.vector_load_idx %arg6[%add3A_302, %add3A_331] : memref<128x17xf32, #tpu.memory_space<vmem>>[vector<16xi32>, vector<16xi32>], vector<16xf32>,
        %gt3A_333 = arith.cmpf ogt, %gather3A_332, %select_n3A_325 : vector<16xf32>
        %select_n3A_334 = arith.select %gt3A_333, %gather3A_332, %select_n3A_325 : vector<16xi1>, vector<16xf32>
        %broadcast_in_dim3A_335 = arith.constant 4 : i32
        %broadcast_in_dim3A_336 = vector.broadcast %broadcast_in_dim3A_335 : i32 to vector<16xi32>
        %select_n3A_337 = arith.select %gt3A_333, %broadcast_in_dim3A_336, %select_n3A_328 : vector<16xi1>, vector<16xi32>
        %add3A_338 = arith.constant 5 : i32
        %add3A_339 = vector.broadcast %add3A_338 : i32 to vector<16xi32>
        %add3A_340 = arith.addi %broadcast_in_dim3A_303, %add3A_339 : vector<16xi32>
        %gather3A_341 = tpu.vector_load_idx %arg6[%add3A_302, %add3A_340] : memref<128x17xf32, #tpu.memory_space<vmem>>[vector<16xi32>, vector<16xi32>], vector<16xf32>,
        %gt3A_342 = arith.cmpf ogt, %gather3A_341, %select_n3A_334 : vector<16xf32>
        %select_n3A_343 = arith.select %gt3A_342, %gather3A_341, %select_n3A_334 : vector<16xi1>, vector<16xf32>
        %broadcast_in_dim3A_344 = arith.constant 5 : i32
        %broadcast_in_dim3A_345 = vector.broadcast %broadcast_in_dim3A_344 : i32 to vector<16xi32>
        %select_n3A_346 = arith.select %gt3A_342, %broadcast_in_dim3A_345, %select_n3A_337 : vector<16xi1>, vector<16xi32>
        %add3A_347 = arith.constant 6 : i32
        %add3A_348 = vector.broadcast %add3A_347 : i32 to vector<16xi32>
        %add3A_349 = arith.addi %broadcast_in_dim3A_303, %add3A_348 : vector<16xi32>
        %gather3A_350 = tpu.vector_load_idx %arg6[%add3A_302, %add3A_349] : memref<128x17xf32, #tpu.memory_space<vmem>>[vector<16xi32>, vector<16xi32>], vector<16xf32>,
        %gt3A_351 = arith.cmpf ogt, %gather3A_350, %select_n3A_343 : vector<16xf32>
        %select_n3A_352 = arith.select %gt3A_351, %gather3A_350, %select_n3A_343 : vector<16xi1>, vector<16xf32>
        %broadcast_in_dim3A_353 = arith.constant 6 : i32
        %broadcast_in_dim3A_354 = vector.broadcast %broadcast_in_dim3A_353 : i32 to vector<16xi32>
        %select_n3A_355 = arith.select %gt3A_351, %broadcast_in_dim3A_354, %select_n3A_346 : vector<16xi1>, vector<16xi32>
        %add3A_356 = arith.constant 7 : i32
        %add3A_357 = vector.broadcast %add3A_356 : i32 to vector<16xi32>
        %add3A_358 = arith.addi %broadcast_in_dim3A_303, %add3A_357 : vector<16xi32>
        %gather3A_359 = tpu.vector_load_idx %arg6[%add3A_302, %add3A_358] : memref<128x17xf32, #tpu.memory_space<vmem>>[vector<16xi32>, vector<16xi32>], vector<16xf32>,
        %gt3A_360 = arith.cmpf ogt, %gather3A_359, %select_n3A_352 : vector<16xf32>
        %select_n3A_361 = arith.select %gt3A_360, %gather3A_359, %select_n3A_352 : vector<16xi1>, vector<16xf32>
        %broadcast_in_dim3A_362 = arith.constant 7 : i32
        %broadcast_in_dim3A_363 = vector.broadcast %broadcast_in_dim3A_362 : i32 to vector<16xi32>
        %select_n3A_364 = arith.select %gt3A_360, %broadcast_in_dim3A_363, %select_n3A_355 : vector<16xi1>, vector<16xi32>
        %add3A_365 = arith.constant 8 : i32
        %add3A_366 = vector.broadcast %add3A_365 : i32 to vector<16xi32>
        %add3A_367 = arith.addi %broadcast_in_dim3A_303, %add3A_366 : vector<16xi32>
        %gather3A_368 = tpu.vector_load_idx %arg6[%add3A_302, %add3A_367] : memref<128x17xf32, #tpu.memory_space<vmem>>[vector<16xi32>, vector<16xi32>], vector<16xf32>,
        %gt3A_369 = arith.cmpf ogt, %gather3A_368, %select_n3A_361 : vector<16xf32>
        %select_n3A_370 = arith.select %gt3A_369, %gather3A_368, %select_n3A_361 : vector<16xi1>, vector<16xf32>
        %broadcast_in_dim3A_371 = arith.constant 8 : i32
        %broadcast_in_dim3A_372 = vector.broadcast %broadcast_in_dim3A_371 : i32 to vector<16xi32>
        %select_n3A_373 = arith.select %gt3A_369, %broadcast_in_dim3A_372, %select_n3A_364 : vector<16xi1>, vector<16xi32>
        %add3A_374 = arith.constant 9 : i32
        %add3A_375 = vector.broadcast %add3A_374 : i32 to vector<16xi32>
        %add3A_376 = arith.addi %broadcast_in_dim3A_303, %add3A_375 : vector<16xi32>
        %gather3A_377 = tpu.vector_load_idx %arg6[%add3A_302, %add3A_376] : memref<128x17xf32, #tpu.memory_space<vmem>>[vector<16xi32>, vector<16xi32>], vector<16xf32>,
        %gt3A_378 = arith.cmpf ogt, %gather3A_377, %select_n3A_370 : vector<16xf32>
        %select_n3A_379 = arith.select %gt3A_378, %gather3A_377, %select_n3A_370 : vector<16xi1>, vector<16xf32>
        %broadcast_in_dim3A_380 = arith.constant 9 : i32
        %broadcast_in_dim3A_381 = vector.broadcast %broadcast_in_dim3A_380 : i32 to vector<16xi32>
        %select_n3A_382 = arith.select %gt3A_378, %broadcast_in_dim3A_381, %select_n3A_373 : vector<16xi1>, vector<16xi32>
        %add3A_383 = arith.constant 10 : i32
        %add3A_384 = vector.broadcast %add3A_383 : i32 to vector<16xi32>
        %add3A_385 = arith.addi %broadcast_in_dim3A_303, %add3A_384 : vector<16xi32>
        %gather3A_386 = tpu.vector_load_idx %arg6[%add3A_302, %add3A_385] : memref<128x17xf32, #tpu.memory_space<vmem>>[vector<16xi32>, vector<16xi32>], vector<16xf32>,
        %gt3A_387 = arith.cmpf ogt, %gather3A_386, %select_n3A_379 : vector<16xf32>
        %select_n3A_388 = arith.select %gt3A_387, %gather3A_386, %select_n3A_379 : vector<16xi1>, vector<16xf32>
        %broadcast_in_dim3A_389 = arith.constant 10 : i32
        %broadcast_in_dim3A_390 = vector.broadcast %broadcast_in_dim3A_389 : i32 to vector<16xi32>
        %select_n3A_391 = arith.select %gt3A_387, %broadcast_in_dim3A_390, %select_n3A_382 : vector<16xi1>, vector<16xi32>
        %add3A_392 = arith.constant 11 : i32
        %add3A_393 = vector.broadcast %add3A_392 : i32 to vector<16xi32>
        %add3A_394 = arith.addi %broadcast_in_dim3A_303, %add3A_393 : vector<16xi32>
        %gather3A_395 = tpu.vector_load_idx %arg6[%add3A_302, %add3A_394] : memref<128x17xf32, #tpu.memory_space<vmem>>[vector<16xi32>, vector<16xi32>], vector<16xf32>,
        %gt3A_396 = arith.cmpf ogt, %gather3A_395, %select_n3A_388 : vector<16xf32>
        %select_n3A_397 = arith.select %gt3A_396, %gather3A_395, %select_n3A_388 : vector<16xi1>, vector<16xf32>
        %broadcast_in_dim3A_398 = arith.constant 11 : i32
        %broadcast_in_dim3A_399 = vector.broadcast %broadcast_in_dim3A_398 : i32 to vector<16xi32>
        %select_n3A_400 = arith.select %gt3A_396, %broadcast_in_dim3A_399, %select_n3A_391 : vector<16xi1>, vector<16xi32>
        %add3A_401 = arith.constant 12 : i32
        %add3A_402 = vector.broadcast %add3A_401 : i32 to vector<16xi32>
        %add3A_403 = arith.addi %broadcast_in_dim3A_303, %add3A_402 : vector<16xi32>
        %gather3A_404 = tpu.vector_load_idx %arg6[%add3A_302, %add3A_403] : memref<128x17xf32, #tpu.memory_space<vmem>>[vector<16xi32>, vector<16xi32>], vector<16xf32>,
        %gt3A_405 = arith.cmpf ogt, %gather3A_404, %select_n3A_397 : vector<16xf32>
        %select_n3A_406 = arith.select %gt3A_405, %gather3A_404, %select_n3A_397 : vector<16xi1>, vector<16xf32>
        %broadcast_in_dim3A_407 = arith.constant 12 : i32
        %broadcast_in_dim3A_408 = vector.broadcast %broadcast_in_dim3A_407 : i32 to vector<16xi32>
        %select_n3A_409 = arith.select %gt3A_405, %broadcast_in_dim3A_408, %select_n3A_400 : vector<16xi1>, vector<16xi32>
        %add3A_410 = arith.constant 13 : i32
        %add3A_411 = vector.broadcast %add3A_410 : i32 to vector<16xi32>
        %add3A_412 = arith.addi %broadcast_in_dim3A_303, %add3A_411 : vector<16xi32>
        %gather3A_413 = tpu.vector_load_idx %arg6[%add3A_302, %add3A_412] : memref<128x17xf32, #tpu.memory_space<vmem>>[vector<16xi32>, vector<16xi32>], vector<16xf32>,
        %gt3A_414 = arith.cmpf ogt, %gather3A_413, %select_n3A_406 : vector<16xf32>
        %select_n3A_415 = arith.select %gt3A_414, %gather3A_413, %select_n3A_406 : vector<16xi1>, vector<16xf32>
        %broadcast_in_dim3A_416 = arith.constant 13 : i32
        %broadcast_in_dim3A_417 = vector.broadcast %broadcast_in_dim3A_416 : i32 to vector<16xi32>
        %select_n3A_418 = arith.select %gt3A_414, %broadcast_in_dim3A_417, %select_n3A_409 : vector<16xi1>, vector<16xi32>
        %add3A_419 = arith.constant 14 : i32
        %add3A_420 = vector.broadcast %add3A_419 : i32 to vector<16xi32>
        %add3A_421 = arith.addi %broadcast_in_dim3A_303, %add3A_420 : vector<16xi32>
        %gather3A_422 = tpu.vector_load_idx %arg6[%add3A_302, %add3A_421] : memref<128x17xf32, #tpu.memory_space<vmem>>[vector<16xi32>, vector<16xi32>], vector<16xf32>,
        %gt3A_423 = arith.cmpf ogt, %gather3A_422, %select_n3A_415 : vector<16xf32>
        %select_n3A_424 = arith.select %gt3A_423, %gather3A_422, %select_n3A_415 : vector<16xi1>, vector<16xf32>
        %broadcast_in_dim3A_425 = arith.constant 14 : i32
        %broadcast_in_dim3A_426 = vector.broadcast %broadcast_in_dim3A_425 : i32 to vector<16xi32>
        %select_n3A_427 = arith.select %gt3A_423, %broadcast_in_dim3A_426, %select_n3A_418 : vector<16xi1>, vector<16xi32>
        %add3A_428 = arith.constant 15 : i32
        %add3A_429 = vector.broadcast %add3A_428 : i32 to vector<16xi32>
        %add3A_430 = arith.addi %broadcast_in_dim3A_303, %add3A_429 : vector<16xi32>
        %gather3A_431 = tpu.vector_load_idx %arg6[%add3A_302, %add3A_430] : memref<128x17xf32, #tpu.memory_space<vmem>>[vector<16xi32>, vector<16xi32>], vector<16xf32>,
        %gt3A_432 = arith.cmpf ogt, %gather3A_431, %select_n3A_424 : vector<16xf32>
        %select_n3A_433 = arith.select %gt3A_432, %gather3A_431, %select_n3A_424 : vector<16xi1>, vector<16xf32>
        %broadcast_in_dim3A_434 = arith.constant 15 : i32
        %broadcast_in_dim3A_435 = vector.broadcast %broadcast_in_dim3A_434 : i32 to vector<16xi32>
        %select_n3A_436 = arith.select %gt3A_432, %broadcast_in_dim3A_435, %select_n3A_427 : vector<16xi1>, vector<16xi32>
        %add3A_437 = arith.constant 16 : i32
        %add3A_438 = vector.broadcast %add3A_437 : i32 to vector<16xi32>
        %add3A_439 = arith.addi %broadcast_in_dim3A_303, %add3A_438 : vector<16xi32>
        %gather3A_440 = tpu.vector_load_idx %arg6[%add3A_302, %add3A_439] : memref<128x17xf32, #tpu.memory_space<vmem>>[vector<16xi32>, vector<16xi32>], vector<16xf32>,
        %gt3A_441 = arith.cmpf ogt, %gather3A_440, %select_n3A_433 : vector<16xf32>
        %select_n3A_442 = arith.select %gt3A_441, %gather3A_440, %select_n3A_433 : vector<16xi1>, vector<16xf32>
        %broadcast_in_dim3A_443 = arith.constant 16 : i32
        %broadcast_in_dim3A_444 = vector.broadcast %broadcast_in_dim3A_443 : i32 to vector<16xi32>
        %select_n3A_445 = arith.select %gt3A_441, %broadcast_in_dim3A_444, %select_n3A_436 : vector<16xi1>, vector<16xi32>
        %neg3A = arith.constant 0.000000e+00 : f32
        %neg3A_446 = vector.broadcast %neg3A : f32 to vector<16xf32>
        %neg3A_447 = arith.subf %neg3A_446, %select_n3A_442 : vector<16xf32>
        %exp3A = math.exp %neg3A_447 : vector<16xf32>
        %add3A_448 = arith.constant 1.000000e+00 : f32
        %add3A_449 = vector.broadcast %add3A_448 : f32 to vector<16xf32>
        %add3A_450 = arith.addf %add3A_449, %exp3A : vector<16xf32>
        %div3A = arith.constant 1.000000e+00 : f32
        %div3A_451 = vector.broadcast %div3A : f32 to vector<16xf32>
        %div3A_452 = arith.divf %div3A_451, %add3A_450 : vector<16xf32>
        %gather3A_453 = tpu.vector_load_idx %arg9[%add3A_302, %select_n3A_445] : memref<128x34xf32, #tpu.memory_space<vmem>>[vector<16xi32>, vector<16xi32>], vector<16xf32>,
        %add3A_454 = arith.constant 17 : i32
        %add3A_455 = vector.broadcast %add3A_454 : i32 to vector<16xi32>
        %add3A_456 = arith.addi %select_n3A_445, %add3A_455 : vector<16xi32>
        %gather3A_457 = tpu.vector_load_idx %arg9[%add3A_302, %add3A_456] : memref<128x34xf32, #tpu.memory_space<vmem>>[vector<16xi32>, vector<16xi32>], vector<16xf32>,
        %add3A_458 = vector.broadcast %mul3A_192 : i32 to vector<16xi32>
        %add3A_459 = arith.addi %add3A_458, %add3A_302 : vector<16xi32>
        %convert_element_type3A_460 = arith.sitofp %add3A_459 : vector<16xi32> to vector<16xf32>
        %broadcast_in_dim3A_461 = arith.constant 4.000000e+00 : f32
        %broadcast_in_dim3A_462 = vector.broadcast %broadcast_in_dim3A_461 : f32 to vector<16xf32>
        %convert_element_type3A_463 = arith.sitofp %add3A_188 : i32 to f32
        %mul3A_464 = vector.broadcast %convert_element_type3A_463 : f32 to vector<16xf32>
        %mul3A_465 = arith.mulf %broadcast_in_dim3A_462, %mul3A_464 : vector<16xf32>
        %mul3A_466 = arith.constant 4.000000e+00 : f32
        %mul3A_467 = vector.broadcast %mul3A_466 : f32 to vector<16xf32>
        %mul3A_468 = arith.mulf %convert_element_type3A_460, %mul3A_467 : vector<16xf32>
        %add3A_469 = arith.addf %mul3A_468, %gather3A_457 : vector<16xf32>
        %convert_element_type3A_470 = arith.fptosi %add3A_469 : vector<16xf32> to vector<16xi32>
        %convert_element_type3A_471 = arith.sitofp %convert_element_type3A_470 : vector<16xi32> to vector<16xf32>
        %add3A_472 = arith.addf %mul3A_465, %gather3A_453 : vector<16xf32>
        %convert_element_type3A_473 = arith.fptosi %add3A_472 : vector<16xf32> to vector<16xi32>
        %convert_element_type3A_474 = arith.sitofp %convert_element_type3A_473 : vector<16xi32> to vector<16xf32>
        %convert_element_type3A_475 = arith.sitofp %select_n3A_445 : vector<16xi32> to vector<16xf32>
        tpu.vector_store_idx %arg11[%add3A_302, %broadcast_in_dim3A_303], %convert_element_type3A_475 : memref<128x4xf32, #tpu.memory_space<vmem>>[vector<16xi32>, vector<16xi32>], vector<16xf32>,
        %add3A_476 = arith.constant 1 : i32
        %add3A_477 = vector.broadcast %add3A_476 : i32 to vector<16xi32>
        %add3A_478 = arith.addi %broadcast_in_dim3A_303, %add3A_477 : vector<16xi32>
        tpu.vector_store_idx %arg11[%add3A_302, %add3A_478], %div3A_452 : memref<128x4xf32, #tpu.memory_space<vmem>>[vector<16xi32>, vector<16xi32>], vector<16xf32>,
        %add3A_479 = arith.constant 2 : i32
        %add3A_480 = vector.broadcast %add3A_479 : i32 to vector<16xi32>
        %add3A_481 = arith.addi %broadcast_in_dim3A_303, %add3A_480 : vector<16xi32>
        tpu.vector_store_idx %arg11[%add3A_302, %add3A_481], %convert_element_type3A_471 : memref<128x4xf32, #tpu.memory_space<vmem>>[vector<16xi32>, vector<16xi32>], vector<16xf32>,
        %add3A_482 = arith.constant 3 : i32
        %add3A_483 = vector.broadcast %add3A_482 : i32 to vector<16xi32>
        %add3A_484 = arith.addi %broadcast_in_dim3A_303, %add3A_483 : vector<16xi32>
        tpu.vector_store_idx %arg11[%add3A_302, %add3A_484], %convert_element_type3A_474 : memref<128x4xf32, #tpu.memory_space<vmem>>[vector<16xi32>, vector<16xi32>], vector<16xf32>,
        %scan3A_485 = arith.constant 0 : i32
        scf.yield %scan3A_485 : i32
      }
      %scan3A_230 = arith.constant 8 : i32
      %dma_start3A_231 = arith.constant 0 : i32
      %dma_start3A_232 = arith.constant 0 : i32
      %dma_start3A_233 = tpu.memref_slice %arg4[%dma_start3A_231, %add3A_195, %dma_start3A_232] : memref<1x262144x4xf32, #tpu.memory_space<hbm>> -> memref<1x128x4xf32, #tpu.memory_space<hbm>>
      %dma_start3A_234 = tpu.memref_squeeze %dma_start3A_233 : memref<1x128x4xf32, #tpu.memory_space<hbm>> -> memref<128x4xf32, #tpu.memory_space<hbm>>
      %dma_start3A_235 = arith.constant 0 : i32
      %dma_start3A_236 = tpu.memref_slice %arg4[%dma_start3A_231, %add3A_195, %dma_start3A_235] : memref<1x262144x4xf32, #tpu.memory_space<hbm>> -> memref<1x128x4xf32, #tpu.memory_space<hbm>>
      %dma_start3A_237 = tpu.memref_squeeze %dma_start3A_236 : memref<1x128x4xf32, #tpu.memory_space<hbm>> -> memref<128x4xf32, #tpu.memory_space<hbm>>
      tpu.enqueue_dma source(%arg11 : memref<128x4xf32, #tpu.memory_space<vmem>>) target(%dma_start3A_237 : memref<128x4xf32, #tpu.memory_space<hbm>>) target_semaphore(%arg18 : memref<!tpu.dma_semaphore, #tpu.memory_space<semaphore_mem>>)
      %mul3A_238 = arith.constant 3 : i32
      %mul3A_239 = arith.muli %scan3A_127, %mul3A_238 : i32
      %add3A_240 = arith.constant 2 : i32
      %add3A_241 = arith.addi %mul3A_239, %add3A_240 : i32
      %mul3A_242 = arith.constant 16 : i32
      %mul3A_243 = arith.muli %add3A, %mul3A_242 : i32
      %shift_right_arithmetic3A_244 = arith.constant 2 : i32
      %shift_right_arithmetic3A_245 = arith.shrsi %add3A_241, %shift_right_arithmetic3A_244 : i32
      %add3A_246 = arith.addi %mul3A_243, %shift_right_arithmetic3A_245 : i32
      %and3A_247 = arith.constant 3 : i32
      %and3A_248 = arith.andi %add3A_241, %and3A_247 : i32
      %mul3A_249 = arith.constant 128 : i32
      %mul3A_250 = arith.muli %and3A_248, %mul3A_249 : i32
      %mul3A_251 = arith.constant 512 : i32
      %mul3A_252 = arith.muli %add3A_246, %mul3A_251 : i32
      %add3A_253 = arith.addi %mul3A_252, %mul3A_250 : i32
      %dma_wait3A_254 = arith.constant 0 : i32
      %dma_wait3A_255 = arith.constant 0 : i32
      %dma_wait3A_256 = tpu.memref_slice %arg2[%dma_wait3A_254, %add3A_246, %mul3A_250, %dma_wait3A_255] : memref<1x512x512x17xf32, #tpu.memory_space<hbm>> -> memref<1x1x128x17xf32, #tpu.memory_space<hbm>>
      %dma_wait3A_257 = tpu.memref_squeeze %dma_wait3A_256 : memref<1x1x128x17xf32, #tpu.memory_space<hbm>> -> memref<128x17xf32, #tpu.memory_space<hbm>>
      %dma_wait3A_258 = arith.constant 0 : i32
      %dma_wait3A_259 = tpu.memref_slice %arg2[%dma_wait3A_254, %add3A_246, %mul3A_250, %dma_wait3A_258] : memref<1x512x512x17xf32, #tpu.memory_space<hbm>> -> memref<1x1x128x17xf32, #tpu.memory_space<hbm>>
      %dma_wait3A_260 = tpu.memref_squeeze %dma_wait3A_259 : memref<1x1x128x17xf32, #tpu.memory_space<hbm>> -> memref<128x17xf32, #tpu.memory_space<hbm>>
      tpu.wait_dma2 semaphore(%arg14 : memref<!tpu.dma_semaphore, #tpu.memory_space<semaphore_mem>>) src(%dma_wait3A_260 : memref<128x17xf32, #tpu.memory_space<hbm>>) dst(%arg7 : memref<128x17xf32, #tpu.memory_space<vmem>>)
      %dma_wait3A_261 = arith.constant 0 : i32
      %dma_wait3A_262 = arith.constant 0 : i32
      %dma_wait3A_263 = tpu.memref_slice %arg3[%dma_wait3A_261, %add3A_246, %mul3A_250, %dma_wait3A_262] : memref<1x512x512x34xf32, #tpu.memory_space<hbm>> -> memref<1x1x128x34xf32, #tpu.memory_space<hbm>>
      %dma_wait3A_264 = tpu.memref_squeeze %dma_wait3A_263 : memref<1x1x128x34xf32, #tpu.memory_space<hbm>> -> memref<128x34xf32, #tpu.memory_space<hbm>>
      %dma_wait3A_265 = arith.constant 0 : i32
      %dma_wait3A_266 = tpu.memref_slice %arg3[%dma_wait3A_261, %add3A_246, %mul3A_250, %dma_wait3A_265] : memref<1x512x512x34xf32, #tpu.memory_space<hbm>> -> memref<1x1x128x34xf32, #tpu.memory_space<hbm>>
      %dma_wait3A_267 = tpu.memref_squeeze %dma_wait3A_266 : memref<1x1x128x34xf32, #tpu.memory_space<hbm>> -> memref<128x34xf32, #tpu.memory_space<hbm>>
      tpu.wait_dma2 semaphore(%arg17 : memref<!tpu.dma_semaphore, #tpu.memory_space<semaphore_mem>>) src(%dma_wait3A_267 : memref<128x34xf32, #tpu.memory_space<hbm>>) dst(%arg10 : memref<128x34xf32, #tpu.memory_space<vmem>>)
      %add3A_268 = arith.constant 3 : i32
      %add3A_269 = arith.addi %add3A_241, %add3A_268 : i32
      %sub3A_270 = arith.constant 1 : i32
      %sub3A_271 = arith.subi %add3A_269, %sub3A_270 : i32
      %lt3A_272 = arith.constant 64 : i32
      %lt3A_273 = arith.cmpi slt, %sub3A_271, %lt3A_272 : i32
      %convert_element_type3A_274 = arith.extui %lt3A_273 : i1 to i32
      %cond3A_275 = arith.constant 0 : i32
      %cond3A_276 = arith.cmpi ne, %convert_element_type3A_274, %cond3A_275 : i32
      scf.if %cond3A_276 {
        %mul3A_297 = arith.constant 16 : i32
        %mul3A_298 = arith.muli %add3A, %mul3A_297 : i32
        %shift_right_arithmetic3A_299 = arith.constant 2 : i32
        %shift_right_arithmetic3A_300 = arith.shrsi %sub3A_271, %shift_right_arithmetic3A_299 : i32
        %add3A_301 = arith.addi %mul3A_298, %shift_right_arithmetic3A_300 : i32
        %and3A_302 = arith.constant 3 : i32
        %and3A_303 = arith.andi %sub3A_271, %and3A_302 : i32
        %mul3A_304 = arith.constant 128 : i32
        %mul3A_305 = arith.muli %and3A_303, %mul3A_304 : i32
        %mul3A_306 = arith.constant 512 : i32
        %mul3A_307 = arith.muli %add3A_301, %mul3A_306 : i32
        %add3A_308 = arith.addi %mul3A_307, %mul3A_305 : i32
        %dma_start3A_309 = arith.constant 0 : i32
        %dma_start3A_310 = arith.constant 0 : i32
        %dma_start3A_311 = tpu.memref_slice %arg2[%dma_start3A_309, %add3A_301, %mul3A_305, %dma_start3A_310] : memref<1x512x512x17xf32, #tpu.memory_space<hbm>> -> memref<1x1x128x17xf32, #tpu.memory_space<hbm>>
        %dma_start3A_312 = tpu.memref_squeeze %dma_start3A_311 : memref<1x1x128x17xf32, #tpu.memory_space<hbm>> -> memref<128x17xf32, #tpu.memory_space<hbm>>
        %dma_start3A_313 = arith.constant 0 : i32
        %dma_start3A_314 = tpu.memref_slice %arg2[%dma_start3A_309, %add3A_301, %mul3A_305, %dma_start3A_313] : memref<1x512x512x17xf32, #tpu.memory_space<hbm>> -> memref<1x1x128x17xf32, #tpu.memory_space<hbm>>
        %dma_start3A_315 = tpu.memref_squeeze %dma_start3A_314 : memref<1x1x128x17xf32, #tpu.memory_space<hbm>> -> memref<128x17xf32, #tpu.memory_space<hbm>>
        tpu.enqueue_dma source(%dma_start3A_315 : memref<128x17xf32, #tpu.memory_space<hbm>>) target(%arg6 : memref<128x17xf32, #tpu.memory_space<vmem>>) target_semaphore(%arg13 : memref<!tpu.dma_semaphore, #tpu.memory_space<semaphore_mem>>)
        %dma_start3A_316 = arith.constant 0 : i32
        %dma_start3A_317 = arith.constant 0 : i32
        %dma_start3A_318 = tpu.memref_slice %arg3[%dma_start3A_316, %add3A_301, %mul3A_305, %dma_start3A_317] : memref<1x512x512x34xf32, #tpu.memory_space<hbm>> -> memref<1x1x128x34xf32, #tpu.memory_space<hbm>>
        %dma_start3A_319 = tpu.memref_squeeze %dma_start3A_318 : memref<1x1x128x34xf32, #tpu.memory_space<hbm>> -> memref<128x34xf32, #tpu.memory_space<hbm>>
        %dma_start3A_320 = arith.constant 0 : i32
        %dma_start3A_321 = tpu.memref_slice %arg3[%dma_start3A_316, %add3A_301, %mul3A_305, %dma_start3A_320] : memref<1x512x512x34xf32, #tpu.memory_space<hbm>> -> memref<1x1x128x34xf32, #tpu.memory_space<hbm>>
        %dma_start3A_322 = tpu.memref_squeeze %dma_start3A_321 : memref<1x1x128x34xf32, #tpu.memory_space<hbm>> -> memref<128x34xf32, #tpu.memory_space<hbm>>
        tpu.enqueue_dma source(%dma_start3A_322 : memref<128x34xf32, #tpu.memory_space<hbm>>) target(%arg9 : memref<128x34xf32, #tpu.memory_space<vmem>>) target_semaphore(%arg16 : memref<!tpu.dma_semaphore, #tpu.memory_space<semaphore_mem>>)
      } else {
      }
      %ge3A_277 = arith.constant 1 : i32
      %ge3A_278 = arith.cmpi sge, %add3A_241, %ge3A_277 : i32
      %convert_element_type3A_279 = arith.extui %ge3A_278 : i1 to i32
      %cond3A_280 = arith.constant 0 : i32
      %cond3A_281 = arith.cmpi ne, %convert_element_type3A_279, %cond3A_280 : i32
      scf.if %cond3A_281 {
        %sub3A_297 = arith.constant 1 : i32
        %sub3A_298 = arith.subi %add3A_241, %sub3A_297 : i32
        %mul3A_299 = arith.constant 16 : i32
        %mul3A_300 = arith.muli %add3A, %mul3A_299 : i32
        %shift_right_arithmetic3A_301 = arith.constant 2 : i32
        %shift_right_arithmetic3A_302 = arith.shrsi %sub3A_298, %shift_right_arithmetic3A_301 : i32
        %add3A_303 = arith.addi %mul3A_300, %shift_right_arithmetic3A_302 : i32
        %and3A_304 = arith.constant 3 : i32
        %and3A_305 = arith.andi %sub3A_298, %and3A_304 : i32
        %mul3A_306 = arith.constant 128 : i32
        %mul3A_307 = arith.muli %and3A_305, %mul3A_306 : i32
        %mul3A_308 = arith.constant 512 : i32
        %mul3A_309 = arith.muli %add3A_303, %mul3A_308 : i32
        %add3A_310 = arith.addi %mul3A_309, %mul3A_307 : i32
        %dma_wait3A_311 = arith.constant 0 : i32
        %dma_wait3A_312 = arith.constant 0 : i32
        %dma_wait3A_313 = tpu.memref_slice %arg4[%dma_wait3A_311, %add3A_310, %dma_wait3A_312] : memref<1x262144x4xf32, #tpu.memory_space<hbm>> -> memref<1x128x4xf32, #tpu.memory_space<hbm>>
        %dma_wait3A_314 = tpu.memref_squeeze %dma_wait3A_313 : memref<1x128x4xf32, #tpu.memory_space<hbm>> -> memref<128x4xf32, #tpu.memory_space<hbm>>
        %dma_wait3A_315 = arith.constant 0 : i32
        %dma_wait3A_316 = tpu.memref_slice %arg4[%dma_wait3A_311, %add3A_310, %dma_wait3A_315] : memref<1x262144x4xf32, #tpu.memory_space<hbm>> -> memref<1x128x4xf32, #tpu.memory_space<hbm>>
        %dma_wait3A_317 = tpu.memref_squeeze %dma_wait3A_316 : memref<1x128x4xf32, #tpu.memory_space<hbm>> -> memref<128x4xf32, #tpu.memory_space<hbm>>
        tpu.wait_dma2 semaphore(%arg18 : memref<!tpu.dma_semaphore, #tpu.memory_space<semaphore_mem>>) src(%arg11 : memref<128x4xf32, #tpu.memory_space<vmem>>) dst(%dma_wait3A_317 : memref<128x4xf32, #tpu.memory_space<hbm>>)
      } else {
      }
      %scan3A_282 = arith.constant 0 : i32
      %scan3A_283 = arith.constant 0 : i32
      %scan3A_284 = arith.constant 8 : i32
      %scan3A_285 = arith.addi %scan3A_283, %scan3A_284 : i32
      %scan3A_286 = arith.constant 1 : i32
      %scan3A_287 = scf.for %scan3A_297 = %scan3A_283 to %scan3A_285 step %scan3A_286 iter_args(%scan3A_298 = %scan3A_282) -> (i32)  : i32 {
        %mul3A_299 = arith.constant 16 : i32
        %mul3A_300 = arith.muli %scan3A_297, %mul3A_299 : i32
        %add3A_301 = vector.broadcast %mul3A_300 : i32 to vector<16xi32>
        %add3A_302 = arith.addi %add3A_301, %iota3A : vector<16xi32>
        %broadcast_in_dim3A = arith.constant 0 : i32
        %broadcast_in_dim3A_303 = vector.broadcast %broadcast_in_dim3A : i32 to vector<16xi32>
        %gather3A = tpu.vector_load_idx %arg7[%add3A_302, %broadcast_in_dim3A_303] : memref<128x17xf32, #tpu.memory_space<vmem>>[vector<16xi32>, vector<16xi32>], vector<16xf32>,
        %add3A_304 = arith.constant 1 : i32
        %add3A_305 = vector.broadcast %add3A_304 : i32 to vector<16xi32>
        %add3A_306 = arith.addi %broadcast_in_dim3A_303, %add3A_305 : vector<16xi32>
        %gather3A_307 = tpu.vector_load_idx %arg7[%add3A_302, %add3A_306] : memref<128x17xf32, #tpu.memory_space<vmem>>[vector<16xi32>, vector<16xi32>], vector<16xf32>,
        %gt3A = arith.cmpf ogt, %gather3A_307, %gather3A : vector<16xf32>
        %select_n3A = arith.select %gt3A, %gather3A_307, %gather3A : vector<16xi1>, vector<16xf32>
        %broadcast_in_dim3A_308 = arith.constant 1 : i32
        %broadcast_in_dim3A_309 = vector.broadcast %broadcast_in_dim3A_308 : i32 to vector<16xi32>
        %select_n3A_310 = arith.select %gt3A, %broadcast_in_dim3A_309, %broadcast_in_dim3A_303 : vector<16xi1>, vector<16xi32>
        %add3A_311 = arith.constant 2 : i32
        %add3A_312 = vector.broadcast %add3A_311 : i32 to vector<16xi32>
        %add3A_313 = arith.addi %broadcast_in_dim3A_303, %add3A_312 : vector<16xi32>
        %gather3A_314 = tpu.vector_load_idx %arg7[%add3A_302, %add3A_313] : memref<128x17xf32, #tpu.memory_space<vmem>>[vector<16xi32>, vector<16xi32>], vector<16xf32>,
        %gt3A_315 = arith.cmpf ogt, %gather3A_314, %select_n3A : vector<16xf32>
        %select_n3A_316 = arith.select %gt3A_315, %gather3A_314, %select_n3A : vector<16xi1>, vector<16xf32>
        %broadcast_in_dim3A_317 = arith.constant 2 : i32
        %broadcast_in_dim3A_318 = vector.broadcast %broadcast_in_dim3A_317 : i32 to vector<16xi32>
        %select_n3A_319 = arith.select %gt3A_315, %broadcast_in_dim3A_318, %select_n3A_310 : vector<16xi1>, vector<16xi32>
        %add3A_320 = arith.constant 3 : i32
        %add3A_321 = vector.broadcast %add3A_320 : i32 to vector<16xi32>
        %add3A_322 = arith.addi %broadcast_in_dim3A_303, %add3A_321 : vector<16xi32>
        %gather3A_323 = tpu.vector_load_idx %arg7[%add3A_302, %add3A_322] : memref<128x17xf32, #tpu.memory_space<vmem>>[vector<16xi32>, vector<16xi32>], vector<16xf32>,
        %gt3A_324 = arith.cmpf ogt, %gather3A_323, %select_n3A_316 : vector<16xf32>
        %select_n3A_325 = arith.select %gt3A_324, %gather3A_323, %select_n3A_316 : vector<16xi1>, vector<16xf32>
        %broadcast_in_dim3A_326 = arith.constant 3 : i32
        %broadcast_in_dim3A_327 = vector.broadcast %broadcast_in_dim3A_326 : i32 to vector<16xi32>
        %select_n3A_328 = arith.select %gt3A_324, %broadcast_in_dim3A_327, %select_n3A_319 : vector<16xi1>, vector<16xi32>
        %add3A_329 = arith.constant 4 : i32
        %add3A_330 = vector.broadcast %add3A_329 : i32 to vector<16xi32>
        %add3A_331 = arith.addi %broadcast_in_dim3A_303, %add3A_330 : vector<16xi32>
        %gather3A_332 = tpu.vector_load_idx %arg7[%add3A_302, %add3A_331] : memref<128x17xf32, #tpu.memory_space<vmem>>[vector<16xi32>, vector<16xi32>], vector<16xf32>,
        %gt3A_333 = arith.cmpf ogt, %gather3A_332, %select_n3A_325 : vector<16xf32>
        %select_n3A_334 = arith.select %gt3A_333, %gather3A_332, %select_n3A_325 : vector<16xi1>, vector<16xf32>
        %broadcast_in_dim3A_335 = arith.constant 4 : i32
        %broadcast_in_dim3A_336 = vector.broadcast %broadcast_in_dim3A_335 : i32 to vector<16xi32>
        %select_n3A_337 = arith.select %gt3A_333, %broadcast_in_dim3A_336, %select_n3A_328 : vector<16xi1>, vector<16xi32>
        %add3A_338 = arith.constant 5 : i32
        %add3A_339 = vector.broadcast %add3A_338 : i32 to vector<16xi32>
        %add3A_340 = arith.addi %broadcast_in_dim3A_303, %add3A_339 : vector<16xi32>
        %gather3A_341 = tpu.vector_load_idx %arg7[%add3A_302, %add3A_340] : memref<128x17xf32, #tpu.memory_space<vmem>>[vector<16xi32>, vector<16xi32>], vector<16xf32>,
        %gt3A_342 = arith.cmpf ogt, %gather3A_341, %select_n3A_334 : vector<16xf32>
        %select_n3A_343 = arith.select %gt3A_342, %gather3A_341, %select_n3A_334 : vector<16xi1>, vector<16xf32>
        %broadcast_in_dim3A_344 = arith.constant 5 : i32
        %broadcast_in_dim3A_345 = vector.broadcast %broadcast_in_dim3A_344 : i32 to vector<16xi32>
        %select_n3A_346 = arith.select %gt3A_342, %broadcast_in_dim3A_345, %select_n3A_337 : vector<16xi1>, vector<16xi32>
        %add3A_347 = arith.constant 6 : i32
        %add3A_348 = vector.broadcast %add3A_347 : i32 to vector<16xi32>
        %add3A_349 = arith.addi %broadcast_in_dim3A_303, %add3A_348 : vector<16xi32>
        %gather3A_350 = tpu.vector_load_idx %arg7[%add3A_302, %add3A_349] : memref<128x17xf32, #tpu.memory_space<vmem>>[vector<16xi32>, vector<16xi32>], vector<16xf32>,
        %gt3A_351 = arith.cmpf ogt, %gather3A_350, %select_n3A_343 : vector<16xf32>
        %select_n3A_352 = arith.select %gt3A_351, %gather3A_350, %select_n3A_343 : vector<16xi1>, vector<16xf32>
        %broadcast_in_dim3A_353 = arith.constant 6 : i32
        %broadcast_in_dim3A_354 = vector.broadcast %broadcast_in_dim3A_353 : i32 to vector<16xi32>
        %select_n3A_355 = arith.select %gt3A_351, %broadcast_in_dim3A_354, %select_n3A_346 : vector<16xi1>, vector<16xi32>
        %add3A_356 = arith.constant 7 : i32
        %add3A_357 = vector.broadcast %add3A_356 : i32 to vector<16xi32>
        %add3A_358 = arith.addi %broadcast_in_dim3A_303, %add3A_357 : vector<16xi32>
        %gather3A_359 = tpu.vector_load_idx %arg7[%add3A_302, %add3A_358] : memref<128x17xf32, #tpu.memory_space<vmem>>[vector<16xi32>, vector<16xi32>], vector<16xf32>,
        %gt3A_360 = arith.cmpf ogt, %gather3A_359, %select_n3A_352 : vector<16xf32>
        %select_n3A_361 = arith.select %gt3A_360, %gather3A_359, %select_n3A_352 : vector<16xi1>, vector<16xf32>
        %broadcast_in_dim3A_362 = arith.constant 7 : i32
        %broadcast_in_dim3A_363 = vector.broadcast %broadcast_in_dim3A_362 : i32 to vector<16xi32>
        %select_n3A_364 = arith.select %gt3A_360, %broadcast_in_dim3A_363, %select_n3A_355 : vector<16xi1>, vector<16xi32>
        %add3A_365 = arith.constant 8 : i32
        %add3A_366 = vector.broadcast %add3A_365 : i32 to vector<16xi32>
        %add3A_367 = arith.addi %broadcast_in_dim3A_303, %add3A_366 : vector<16xi32>
        %gather3A_368 = tpu.vector_load_idx %arg7[%add3A_302, %add3A_367] : memref<128x17xf32, #tpu.memory_space<vmem>>[vector<16xi32>, vector<16xi32>], vector<16xf32>,
        %gt3A_369 = arith.cmpf ogt, %gather3A_368, %select_n3A_361 : vector<16xf32>
        %select_n3A_370 = arith.select %gt3A_369, %gather3A_368, %select_n3A_361 : vector<16xi1>, vector<16xf32>
        %broadcast_in_dim3A_371 = arith.constant 8 : i32
        %broadcast_in_dim3A_372 = vector.broadcast %broadcast_in_dim3A_371 : i32 to vector<16xi32>
        %select_n3A_373 = arith.select %gt3A_369, %broadcast_in_dim3A_372, %select_n3A_364 : vector<16xi1>, vector<16xi32>
        %add3A_374 = arith.constant 9 : i32
        %add3A_375 = vector.broadcast %add3A_374 : i32 to vector<16xi32>
        %add3A_376 = arith.addi %broadcast_in_dim3A_303, %add3A_375 : vector<16xi32>
        %gather3A_377 = tpu.vector_load_idx %arg7[%add3A_302, %add3A_376] : memref<128x17xf32, #tpu.memory_space<vmem>>[vector<16xi32>, vector<16xi32>], vector<16xf32>,
        %gt3A_378 = arith.cmpf ogt, %gather3A_377, %select_n3A_370 : vector<16xf32>
        %select_n3A_379 = arith.select %gt3A_378, %gather3A_377, %select_n3A_370 : vector<16xi1>, vector<16xf32>
        %broadcast_in_dim3A_380 = arith.constant 9 : i32
        %broadcast_in_dim3A_381 = vector.broadcast %broadcast_in_dim3A_380 : i32 to vector<16xi32>
        %select_n3A_382 = arith.select %gt3A_378, %broadcast_in_dim3A_381, %select_n3A_373 : vector<16xi1>, vector<16xi32>
        %add3A_383 = arith.constant 10 : i32
        %add3A_384 = vector.broadcast %add3A_383 : i32 to vector<16xi32>
        %add3A_385 = arith.addi %broadcast_in_dim3A_303, %add3A_384 : vector<16xi32>
        %gather3A_386 = tpu.vector_load_idx %arg7[%add3A_302, %add3A_385] : memref<128x17xf32, #tpu.memory_space<vmem>>[vector<16xi32>, vector<16xi32>], vector<16xf32>,
        %gt3A_387 = arith.cmpf ogt, %gather3A_386, %select_n3A_379 : vector<16xf32>
        %select_n3A_388 = arith.select %gt3A_387, %gather3A_386, %select_n3A_379 : vector<16xi1>, vector<16xf32>
        %broadcast_in_dim3A_389 = arith.constant 10 : i32
        %broadcast_in_dim3A_390 = vector.broadcast %broadcast_in_dim3A_389 : i32 to vector<16xi32>
        %select_n3A_391 = arith.select %gt3A_387, %broadcast_in_dim3A_390, %select_n3A_382 : vector<16xi1>, vector<16xi32>
        %add3A_392 = arith.constant 11 : i32
        %add3A_393 = vector.broadcast %add3A_392 : i32 to vector<16xi32>
        %add3A_394 = arith.addi %broadcast_in_dim3A_303, %add3A_393 : vector<16xi32>
        %gather3A_395 = tpu.vector_load_idx %arg7[%add3A_302, %add3A_394] : memref<128x17xf32, #tpu.memory_space<vmem>>[vector<16xi32>, vector<16xi32>], vector<16xf32>,
        %gt3A_396 = arith.cmpf ogt, %gather3A_395, %select_n3A_388 : vector<16xf32>
        %select_n3A_397 = arith.select %gt3A_396, %gather3A_395, %select_n3A_388 : vector<16xi1>, vector<16xf32>
        %broadcast_in_dim3A_398 = arith.constant 11 : i32
        %broadcast_in_dim3A_399 = vector.broadcast %broadcast_in_dim3A_398 : i32 to vector<16xi32>
        %select_n3A_400 = arith.select %gt3A_396, %broadcast_in_dim3A_399, %select_n3A_391 : vector<16xi1>, vector<16xi32>
        %add3A_401 = arith.constant 12 : i32
        %add3A_402 = vector.broadcast %add3A_401 : i32 to vector<16xi32>
        %add3A_403 = arith.addi %broadcast_in_dim3A_303, %add3A_402 : vector<16xi32>
        %gather3A_404 = tpu.vector_load_idx %arg7[%add3A_302, %add3A_403] : memref<128x17xf32, #tpu.memory_space<vmem>>[vector<16xi32>, vector<16xi32>], vector<16xf32>,
        %gt3A_405 = arith.cmpf ogt, %gather3A_404, %select_n3A_397 : vector<16xf32>
        %select_n3A_406 = arith.select %gt3A_405, %gather3A_404, %select_n3A_397 : vector<16xi1>, vector<16xf32>
        %broadcast_in_dim3A_407 = arith.constant 12 : i32
        %broadcast_in_dim3A_408 = vector.broadcast %broadcast_in_dim3A_407 : i32 to vector<16xi32>
        %select_n3A_409 = arith.select %gt3A_405, %broadcast_in_dim3A_408, %select_n3A_400 : vector<16xi1>, vector<16xi32>
        %add3A_410 = arith.constant 13 : i32
        %add3A_411 = vector.broadcast %add3A_410 : i32 to vector<16xi32>
        %add3A_412 = arith.addi %broadcast_in_dim3A_303, %add3A_411 : vector<16xi32>
        %gather3A_413 = tpu.vector_load_idx %arg7[%add3A_302, %add3A_412] : memref<128x17xf32, #tpu.memory_space<vmem>>[vector<16xi32>, vector<16xi32>], vector<16xf32>,
        %gt3A_414 = arith.cmpf ogt, %gather3A_413, %select_n3A_406 : vector<16xf32>
        %select_n3A_415 = arith.select %gt3A_414, %gather3A_413, %select_n3A_406 : vector<16xi1>, vector<16xf32>
        %broadcast_in_dim3A_416 = arith.constant 13 : i32
        %broadcast_in_dim3A_417 = vector.broadcast %broadcast_in_dim3A_416 : i32 to vector<16xi32>
        %select_n3A_418 = arith.select %gt3A_414, %broadcast_in_dim3A_417, %select_n3A_409 : vector<16xi1>, vector<16xi32>
        %add3A_419 = arith.constant 14 : i32
        %add3A_420 = vector.broadcast %add3A_419 : i32 to vector<16xi32>
        %add3A_421 = arith.addi %broadcast_in_dim3A_303, %add3A_420 : vector<16xi32>
        %gather3A_422 = tpu.vector_load_idx %arg7[%add3A_302, %add3A_421] : memref<128x17xf32, #tpu.memory_space<vmem>>[vector<16xi32>, vector<16xi32>], vector<16xf32>,
        %gt3A_423 = arith.cmpf ogt, %gather3A_422, %select_n3A_415 : vector<16xf32>
        %select_n3A_424 = arith.select %gt3A_423, %gather3A_422, %select_n3A_415 : vector<16xi1>, vector<16xf32>
        %broadcast_in_dim3A_425 = arith.constant 14 : i32
        %broadcast_in_dim3A_426 = vector.broadcast %broadcast_in_dim3A_425 : i32 to vector<16xi32>
        %select_n3A_427 = arith.select %gt3A_423, %broadcast_in_dim3A_426, %select_n3A_418 : vector<16xi1>, vector<16xi32>
        %add3A_428 = arith.constant 15 : i32
        %add3A_429 = vector.broadcast %add3A_428 : i32 to vector<16xi32>
        %add3A_430 = arith.addi %broadcast_in_dim3A_303, %add3A_429 : vector<16xi32>
        %gather3A_431 = tpu.vector_load_idx %arg7[%add3A_302, %add3A_430] : memref<128x17xf32, #tpu.memory_space<vmem>>[vector<16xi32>, vector<16xi32>], vector<16xf32>,
        %gt3A_432 = arith.cmpf ogt, %gather3A_431, %select_n3A_424 : vector<16xf32>
        %select_n3A_433 = arith.select %gt3A_432, %gather3A_431, %select_n3A_424 : vector<16xi1>, vector<16xf32>
        %broadcast_in_dim3A_434 = arith.constant 15 : i32
        %broadcast_in_dim3A_435 = vector.broadcast %broadcast_in_dim3A_434 : i32 to vector<16xi32>
        %select_n3A_436 = arith.select %gt3A_432, %broadcast_in_dim3A_435, %select_n3A_427 : vector<16xi1>, vector<16xi32>
        %add3A_437 = arith.constant 16 : i32
        %add3A_438 = vector.broadcast %add3A_437 : i32 to vector<16xi32>
        %add3A_439 = arith.addi %broadcast_in_dim3A_303, %add3A_438 : vector<16xi32>
        %gather3A_440 = tpu.vector_load_idx %arg7[%add3A_302, %add3A_439] : memref<128x17xf32, #tpu.memory_space<vmem>>[vector<16xi32>, vector<16xi32>], vector<16xf32>,
        %gt3A_441 = arith.cmpf ogt, %gather3A_440, %select_n3A_433 : vector<16xf32>
        %select_n3A_442 = arith.select %gt3A_441, %gather3A_440, %select_n3A_433 : vector<16xi1>, vector<16xf32>
        %broadcast_in_dim3A_443 = arith.constant 16 : i32
        %broadcast_in_dim3A_444 = vector.broadcast %broadcast_in_dim3A_443 : i32 to vector<16xi32>
        %select_n3A_445 = arith.select %gt3A_441, %broadcast_in_dim3A_444, %select_n3A_436 : vector<16xi1>, vector<16xi32>
        %neg3A = arith.constant 0.000000e+00 : f32
        %neg3A_446 = vector.broadcast %neg3A : f32 to vector<16xf32>
        %neg3A_447 = arith.subf %neg3A_446, %select_n3A_442 : vector<16xf32>
        %exp3A = math.exp %neg3A_447 : vector<16xf32>
        %add3A_448 = arith.constant 1.000000e+00 : f32
        %add3A_449 = vector.broadcast %add3A_448 : f32 to vector<16xf32>
        %add3A_450 = arith.addf %add3A_449, %exp3A : vector<16xf32>
        %div3A = arith.constant 1.000000e+00 : f32
        %div3A_451 = vector.broadcast %div3A : f32 to vector<16xf32>
        %div3A_452 = arith.divf %div3A_451, %add3A_450 : vector<16xf32>
        %gather3A_453 = tpu.vector_load_idx %arg10[%add3A_302, %select_n3A_445] : memref<128x34xf32, #tpu.memory_space<vmem>>[vector<16xi32>, vector<16xi32>], vector<16xf32>,
        %add3A_454 = arith.constant 17 : i32
        %add3A_455 = vector.broadcast %add3A_454 : i32 to vector<16xi32>
        %add3A_456 = arith.addi %select_n3A_445, %add3A_455 : vector<16xi32>
        %gather3A_457 = tpu.vector_load_idx %arg10[%add3A_302, %add3A_456] : memref<128x34xf32, #tpu.memory_space<vmem>>[vector<16xi32>, vector<16xi32>], vector<16xf32>,
        %add3A_458 = vector.broadcast %mul3A_250 : i32 to vector<16xi32>
        %add3A_459 = arith.addi %add3A_458, %add3A_302 : vector<16xi32>
        %convert_element_type3A_460 = arith.sitofp %add3A_459 : vector<16xi32> to vector<16xf32>
        %broadcast_in_dim3A_461 = arith.constant 4.000000e+00 : f32
        %broadcast_in_dim3A_462 = vector.broadcast %broadcast_in_dim3A_461 : f32 to vector<16xf32>
        %convert_element_type3A_463 = arith.sitofp %add3A_246 : i32 to f32
        %mul3A_464 = vector.broadcast %convert_element_type3A_463 : f32 to vector<16xf32>
        %mul3A_465 = arith.mulf %broadcast_in_dim3A_462, %mul3A_464 : vector<16xf32>
        %mul3A_466 = arith.constant 4.000000e+00 : f32
        %mul3A_467 = vector.broadcast %mul3A_466 : f32 to vector<16xf32>
        %mul3A_468 = arith.mulf %convert_element_type3A_460, %mul3A_467 : vector<16xf32>
        %add3A_469 = arith.addf %mul3A_468, %gather3A_457 : vector<16xf32>
        %convert_element_type3A_470 = arith.fptosi %add3A_469 : vector<16xf32> to vector<16xi32>
        %convert_element_type3A_471 = arith.sitofp %convert_element_type3A_470 : vector<16xi32> to vector<16xf32>
        %add3A_472 = arith.addf %mul3A_465, %gather3A_453 : vector<16xf32>
        %convert_element_type3A_473 = arith.fptosi %add3A_472 : vector<16xf32> to vector<16xi32>
        %convert_element_type3A_474 = arith.sitofp %convert_element_type3A_473 : vector<16xi32> to vector<16xf32>
        %convert_element_type3A_475 = arith.sitofp %select_n3A_445 : vector<16xi32> to vector<16xf32>
        tpu.vector_store_idx %arg11[%add3A_302, %broadcast_in_dim3A_303], %convert_element_type3A_475 : memref<128x4xf32, #tpu.memory_space<vmem>>[vector<16xi32>, vector<16xi32>], vector<16xf32>,
        %add3A_476 = arith.constant 1 : i32
        %add3A_477 = vector.broadcast %add3A_476 : i32 to vector<16xi32>
        %add3A_478 = arith.addi %broadcast_in_dim3A_303, %add3A_477 : vector<16xi32>
        tpu.vector_store_idx %arg11[%add3A_302, %add3A_478], %div3A_452 : memref<128x4xf32, #tpu.memory_space<vmem>>[vector<16xi32>, vector<16xi32>], vector<16xf32>,
        %add3A_479 = arith.constant 2 : i32
        %add3A_480 = vector.broadcast %add3A_479 : i32 to vector<16xi32>
        %add3A_481 = arith.addi %broadcast_in_dim3A_303, %add3A_480 : vector<16xi32>
        tpu.vector_store_idx %arg11[%add3A_302, %add3A_481], %convert_element_type3A_471 : memref<128x4xf32, #tpu.memory_space<vmem>>[vector<16xi32>, vector<16xi32>], vector<16xf32>,
        %add3A_482 = arith.constant 3 : i32
        %add3A_483 = vector.broadcast %add3A_482 : i32 to vector<16xi32>
        %add3A_484 = arith.addi %broadcast_in_dim3A_303, %add3A_483 : vector<16xi32>
        tpu.vector_store_idx %arg11[%add3A_302, %add3A_484], %convert_element_type3A_474 : memref<128x4xf32, #tpu.memory_space<vmem>>[vector<16xi32>, vector<16xi32>], vector<16xf32>,
        %scan3A_485 = arith.constant 0 : i32
        scf.yield %scan3A_485 : i32
      }
      %scan3A_288 = arith.constant 8 : i32
      %dma_start3A_289 = arith.constant 0 : i32
      %dma_start3A_290 = arith.constant 0 : i32
      %dma_start3A_291 = tpu.memref_slice %arg4[%dma_start3A_289, %add3A_253, %dma_start3A_290] : memref<1x262144x4xf32, #tpu.memory_space<hbm>> -> memref<1x128x4xf32, #tpu.memory_space<hbm>>
      %dma_start3A_292 = tpu.memref_squeeze %dma_start3A_291 : memref<1x128x4xf32, #tpu.memory_space<hbm>> -> memref<128x4xf32, #tpu.memory_space<hbm>>
      %dma_start3A_293 = arith.constant 0 : i32
      %dma_start3A_294 = tpu.memref_slice %arg4[%dma_start3A_289, %add3A_253, %dma_start3A_293] : memref<1x262144x4xf32, #tpu.memory_space<hbm>> -> memref<1x128x4xf32, #tpu.memory_space<hbm>>
      %dma_start3A_295 = tpu.memref_squeeze %dma_start3A_294 : memref<1x128x4xf32, #tpu.memory_space<hbm>> -> memref<128x4xf32, #tpu.memory_space<hbm>>
      tpu.enqueue_dma source(%arg11 : memref<128x4xf32, #tpu.memory_space<vmem>>) target(%dma_start3A_295 : memref<128x4xf32, #tpu.memory_space<hbm>>) target_semaphore(%arg18 : memref<!tpu.dma_semaphore, #tpu.memory_space<semaphore_mem>>)
      %scan3A_296 = arith.constant 0 : i32
      scf.yield %scan3A_296 : i32
    }
    %scan3A_57 = arith.constant 21 : i32
    %mul3A_58 = arith.constant 16 : i32
    %mul3A_59 = arith.muli %add3A, %mul3A_58 : i32
    %add3A_60 = arith.constant 15 : i32
    %add3A_61 = arith.addi %mul3A_59, %add3A_60 : i32
    %mul3A_62 = arith.constant 512 : i32
    %mul3A_63 = arith.muli %add3A_61, %mul3A_62 : i32
    %add3A_64 = arith.constant 384 : i32
    %add3A_65 = arith.addi %mul3A_63, %add3A_64 : i32
    %dma_wait3A = arith.constant 0 : i32
    %dma_wait3A_66 = arith.constant 384 : i32
    %dma_wait3A_67 = arith.constant 0 : i32
    %dma_wait3A_68 = tpu.memref_slice %arg2[%dma_wait3A, %add3A_61, %dma_wait3A_66, %dma_wait3A_67] : memref<1x512x512x17xf32, #tpu.memory_space<hbm>> -> memref<1x1x128x17xf32, #tpu.memory_space<hbm>>
    %dma_wait3A_69 = tpu.memref_squeeze %dma_wait3A_68 : memref<1x1x128x17xf32, #tpu.memory_space<hbm>> -> memref<128x17xf32, #tpu.memory_space<hbm>>
    %dma_wait3A_70 = arith.constant 384 : i32
    %dma_wait3A_71 = arith.constant 0 : i32
    %dma_wait3A_72 = tpu.memref_slice %arg2[%dma_wait3A, %add3A_61, %dma_wait3A_70, %dma_wait3A_71] : memref<1x512x512x17xf32, #tpu.memory_space<hbm>> -> memref<1x1x128x17xf32, #tpu.memory_space<hbm>>
    %dma_wait3A_73 = tpu.memref_squeeze %dma_wait3A_72 : memref<1x1x128x17xf32, #tpu.memory_space<hbm>> -> memref<128x17xf32, #tpu.memory_space<hbm>>
    tpu.wait_dma2 semaphore(%arg12 : memref<!tpu.dma_semaphore, #tpu.memory_space<semaphore_mem>>) src(%dma_wait3A_73 : memref<128x17xf32, #tpu.memory_space<hbm>>) dst(%arg5 : memref<128x17xf32, #tpu.memory_space<vmem>>)
    %dma_wait3A_74 = arith.constant 0 : i32
    %dma_wait3A_75 = arith.constant 384 : i32
    %dma_wait3A_76 = arith.constant 0 : i32
    %dma_wait3A_77 = tpu.memref_slice %arg3[%dma_wait3A_74, %add3A_61, %dma_wait3A_75, %dma_wait3A_76] : memref<1x512x512x34xf32, #tpu.memory_space<hbm>> -> memref<1x1x128x34xf32, #tpu.memory_space<hbm>>
    %dma_wait3A_78 = tpu.memref_squeeze %dma_wait3A_77 : memref<1x1x128x34xf32, #tpu.memory_space<hbm>> -> memref<128x34xf32, #tpu.memory_space<hbm>>
    %dma_wait3A_79 = arith.constant 384 : i32
    %dma_wait3A_80 = arith.constant 0 : i32
    %dma_wait3A_81 = tpu.memref_slice %arg3[%dma_wait3A_74, %add3A_61, %dma_wait3A_79, %dma_wait3A_80] : memref<1x512x512x34xf32, #tpu.memory_space<hbm>> -> memref<1x1x128x34xf32, #tpu.memory_space<hbm>>
    %dma_wait3A_82 = tpu.memref_squeeze %dma_wait3A_81 : memref<1x1x128x34xf32, #tpu.memory_space<hbm>> -> memref<128x34xf32, #tpu.memory_space<hbm>>
    tpu.wait_dma2 semaphore(%arg15 : memref<!tpu.dma_semaphore, #tpu.memory_space<semaphore_mem>>) src(%dma_wait3A_82 : memref<128x34xf32, #tpu.memory_space<hbm>>) dst(%arg8 : memref<128x34xf32, #tpu.memory_space<vmem>>)
    %mul3A_83 = arith.constant 16 : i32
    %mul3A_84 = arith.muli %add3A, %mul3A_83 : i32
    %add3A_85 = arith.constant 15 : i32
    %add3A_86 = arith.addi %mul3A_84, %add3A_85 : i32
    %mul3A_87 = arith.constant 512 : i32
    %mul3A_88 = arith.muli %add3A_86, %mul3A_87 : i32
    %add3A_89 = arith.constant 256 : i32
    %add3A_90 = arith.addi %mul3A_88, %add3A_89 : i32
    %dma_wait3A_91 = arith.constant 0 : i32
    %dma_wait3A_92 = arith.constant 0 : i32
    %dma_wait3A_93 = tpu.memref_slice %arg4[%dma_wait3A_91, %add3A_90, %dma_wait3A_92] : memref<1x262144x4xf32, #tpu.memory_space<hbm>> -> memref<1x128x4xf32, #tpu.memory_space<hbm>>
    %dma_wait3A_94 = tpu.memref_squeeze %dma_wait3A_93 : memref<1x128x4xf32, #tpu.memory_space<hbm>> -> memref<128x4xf32, #tpu.memory_space<hbm>>
    %dma_wait3A_95 = arith.constant 0 : i32
    %dma_wait3A_96 = tpu.memref_slice %arg4[%dma_wait3A_91, %add3A_90, %dma_wait3A_95] : memref<1x262144x4xf32, #tpu.memory_space<hbm>> -> memref<1x128x4xf32, #tpu.memory_space<hbm>>
    %dma_wait3A_97 = tpu.memref_squeeze %dma_wait3A_96 : memref<1x128x4xf32, #tpu.memory_space<hbm>> -> memref<128x4xf32, #tpu.memory_space<hbm>>
    tpu.wait_dma2 semaphore(%arg18 : memref<!tpu.dma_semaphore, #tpu.memory_space<semaphore_mem>>) src(%arg11 : memref<128x4xf32, #tpu.memory_space<vmem>>) dst(%dma_wait3A_97 : memref<128x4xf32, #tpu.memory_space<hbm>>)
    %scan3A_98 = arith.constant 0 : i32
    %scan3A_99 = arith.constant 0 : i32
    %scan3A_100 = arith.constant 8 : i32
    %scan3A_101 = arith.addi %scan3A_99, %scan3A_100 : i32
    %scan3A_102 = arith.constant 1 : i32
    %scan3A_103 = scf.for %scan3A_127 = %scan3A_99 to %scan3A_101 step %scan3A_102 iter_args(%scan3A_128 = %scan3A_98) -> (i32)  : i32 {
      %mul3A_129 = arith.constant 16 : i32
      %mul3A_130 = arith.muli %scan3A_127, %mul3A_129 : i32
      %add3A_131 = vector.broadcast %mul3A_130 : i32 to vector<16xi32>
      %add3A_132 = arith.addi %add3A_131, %iota3A : vector<16xi32>
      %broadcast_in_dim3A = arith.constant 0 : i32
      %broadcast_in_dim3A_133 = vector.broadcast %broadcast_in_dim3A : i32 to vector<16xi32>
      %gather3A = tpu.vector_load_idx %arg5[%add3A_132, %broadcast_in_dim3A_133] : memref<128x17xf32, #tpu.memory_space<vmem>>[vector<16xi32>, vector<16xi32>], vector<16xf32>,
      %add3A_134 = arith.constant 1 : i32
      %add3A_135 = vector.broadcast %add3A_134 : i32 to vector<16xi32>
      %add3A_136 = arith.addi %broadcast_in_dim3A_133, %add3A_135 : vector<16xi32>
      %gather3A_137 = tpu.vector_load_idx %arg5[%add3A_132, %add3A_136] : memref<128x17xf32, #tpu.memory_space<vmem>>[vector<16xi32>, vector<16xi32>], vector<16xf32>,
      %gt3A = arith.cmpf ogt, %gather3A_137, %gather3A : vector<16xf32>
      %select_n3A = arith.select %gt3A, %gather3A_137, %gather3A : vector<16xi1>, vector<16xf32>
      %broadcast_in_dim3A_138 = arith.constant 1 : i32
      %broadcast_in_dim3A_139 = vector.broadcast %broadcast_in_dim3A_138 : i32 to vector<16xi32>
      %select_n3A_140 = arith.select %gt3A, %broadcast_in_dim3A_139, %broadcast_in_dim3A_133 : vector<16xi1>, vector<16xi32>
      %add3A_141 = arith.constant 2 : i32
      %add3A_142 = vector.broadcast %add3A_141 : i32 to vector<16xi32>
      %add3A_143 = arith.addi %broadcast_in_dim3A_133, %add3A_142 : vector<16xi32>
      %gather3A_144 = tpu.vector_load_idx %arg5[%add3A_132, %add3A_143] : memref<128x17xf32, #tpu.memory_space<vmem>>[vector<16xi32>, vector<16xi32>], vector<16xf32>,
      %gt3A_145 = arith.cmpf ogt, %gather3A_144, %select_n3A : vector<16xf32>
      %select_n3A_146 = arith.select %gt3A_145, %gather3A_144, %select_n3A : vector<16xi1>, vector<16xf32>
      %broadcast_in_dim3A_147 = arith.constant 2 : i32
      %broadcast_in_dim3A_148 = vector.broadcast %broadcast_in_dim3A_147 : i32 to vector<16xi32>
      %select_n3A_149 = arith.select %gt3A_145, %broadcast_in_dim3A_148, %select_n3A_140 : vector<16xi1>, vector<16xi32>
      %add3A_150 = arith.constant 3 : i32
      %add3A_151 = vector.broadcast %add3A_150 : i32 to vector<16xi32>
      %add3A_152 = arith.addi %broadcast_in_dim3A_133, %add3A_151 : vector<16xi32>
      %gather3A_153 = tpu.vector_load_idx %arg5[%add3A_132, %add3A_152] : memref<128x17xf32, #tpu.memory_space<vmem>>[vector<16xi32>, vector<16xi32>], vector<16xf32>,
      %gt3A_154 = arith.cmpf ogt, %gather3A_153, %select_n3A_146 : vector<16xf32>
      %select_n3A_155 = arith.select %gt3A_154, %gather3A_153, %select_n3A_146 : vector<16xi1>, vector<16xf32>
      %broadcast_in_dim3A_156 = arith.constant 3 : i32
      %broadcast_in_dim3A_157 = vector.broadcast %broadcast_in_dim3A_156 : i32 to vector<16xi32>
      %select_n3A_158 = arith.select %gt3A_154, %broadcast_in_dim3A_157, %select_n3A_149 : vector<16xi1>, vector<16xi32>
      %add3A_159 = arith.constant 4 : i32
      %add3A_160 = vector.broadcast %add3A_159 : i32 to vector<16xi32>
      %add3A_161 = arith.addi %broadcast_in_dim3A_133, %add3A_160 : vector<16xi32>
      %gather3A_162 = tpu.vector_load_idx %arg5[%add3A_132, %add3A_161] : memref<128x17xf32, #tpu.memory_space<vmem>>[vector<16xi32>, vector<16xi32>], vector<16xf32>,
      %gt3A_163 = arith.cmpf ogt, %gather3A_162, %select_n3A_155 : vector<16xf32>
      %select_n3A_164 = arith.select %gt3A_163, %gather3A_162, %select_n3A_155 : vector<16xi1>, vector<16xf32>
      %broadcast_in_dim3A_165 = arith.constant 4 : i32
      %broadcast_in_dim3A_166 = vector.broadcast %broadcast_in_dim3A_165 : i32 to vector<16xi32>
      %select_n3A_167 = arith.select %gt3A_163, %broadcast_in_dim3A_166, %select_n3A_158 : vector<16xi1>, vector<16xi32>
      %add3A_168 = arith.constant 5 : i32
      %add3A_169 = vector.broadcast %add3A_168 : i32 to vector<16xi32>
      %add3A_170 = arith.addi %broadcast_in_dim3A_133, %add3A_169 : vector<16xi32>
      %gather3A_171 = tpu.vector_load_idx %arg5[%add3A_132, %add3A_170] : memref<128x17xf32, #tpu.memory_space<vmem>>[vector<16xi32>, vector<16xi32>], vector<16xf32>,
      %gt3A_172 = arith.cmpf ogt, %gather3A_171, %select_n3A_164 : vector<16xf32>
      %select_n3A_173 = arith.select %gt3A_172, %gather3A_171, %select_n3A_164 : vector<16xi1>, vector<16xf32>
      %broadcast_in_dim3A_174 = arith.constant 5 : i32
      %broadcast_in_dim3A_175 = vector.broadcast %broadcast_in_dim3A_174 : i32 to vector<16xi32>
      %select_n3A_176 = arith.select %gt3A_172, %broadcast_in_dim3A_175, %select_n3A_167 : vector<16xi1>, vector<16xi32>
      %add3A_177 = arith.constant 6 : i32
      %add3A_178 = vector.broadcast %add3A_177 : i32 to vector<16xi32>
      %add3A_179 = arith.addi %broadcast_in_dim3A_133, %add3A_178 : vector<16xi32>
      %gather3A_180 = tpu.vector_load_idx %arg5[%add3A_132, %add3A_179] : memref<128x17xf32, #tpu.memory_space<vmem>>[vector<16xi32>, vector<16xi32>], vector<16xf32>,
      %gt3A_181 = arith.cmpf ogt, %gather3A_180, %select_n3A_173 : vector<16xf32>
      %select_n3A_182 = arith.select %gt3A_181, %gather3A_180, %select_n3A_173 : vector<16xi1>, vector<16xf32>
      %broadcast_in_dim3A_183 = arith.constant 6 : i32
      %broadcast_in_dim3A_184 = vector.broadcast %broadcast_in_dim3A_183 : i32 to vector<16xi32>
      %select_n3A_185 = arith.select %gt3A_181, %broadcast_in_dim3A_184, %select_n3A_176 : vector<16xi1>, vector<16xi32>
      %add3A_186 = arith.constant 7 : i32
      %add3A_187 = vector.broadcast %add3A_186 : i32 to vector<16xi32>
      %add3A_188 = arith.addi %broadcast_in_dim3A_133, %add3A_187 : vector<16xi32>
      %gather3A_189 = tpu.vector_load_idx %arg5[%add3A_132, %add3A_188] : memref<128x17xf32, #tpu.memory_space<vmem>>[vector<16xi32>, vector<16xi32>], vector<16xf32>,
      %gt3A_190 = arith.cmpf ogt, %gather3A_189, %select_n3A_182 : vector<16xf32>
      %select_n3A_191 = arith.select %gt3A_190, %gather3A_189, %select_n3A_182 : vector<16xi1>, vector<16xf32>
      %broadcast_in_dim3A_192 = arith.constant 7 : i32
      %broadcast_in_dim3A_193 = vector.broadcast %broadcast_in_dim3A_192 : i32 to vector<16xi32>
      %select_n3A_194 = arith.select %gt3A_190, %broadcast_in_dim3A_193, %select_n3A_185 : vector<16xi1>, vector<16xi32>
      %add3A_195 = arith.constant 8 : i32
      %add3A_196 = vector.broadcast %add3A_195 : i32 to vector<16xi32>
      %add3A_197 = arith.addi %broadcast_in_dim3A_133, %add3A_196 : vector<16xi32>
      %gather3A_198 = tpu.vector_load_idx %arg5[%add3A_132, %add3A_197] : memref<128x17xf32, #tpu.memory_space<vmem>>[vector<16xi32>, vector<16xi32>], vector<16xf32>,
      %gt3A_199 = arith.cmpf ogt, %gather3A_198, %select_n3A_191 : vector<16xf32>
      %select_n3A_200 = arith.select %gt3A_199, %gather3A_198, %select_n3A_191 : vector<16xi1>, vector<16xf32>
      %broadcast_in_dim3A_201 = arith.constant 8 : i32
      %broadcast_in_dim3A_202 = vector.broadcast %broadcast_in_dim3A_201 : i32 to vector<16xi32>
      %select_n3A_203 = arith.select %gt3A_199, %broadcast_in_dim3A_202, %select_n3A_194 : vector<16xi1>, vector<16xi32>
      %add3A_204 = arith.constant 9 : i32
      %add3A_205 = vector.broadcast %add3A_204 : i32 to vector<16xi32>
      %add3A_206 = arith.addi %broadcast_in_dim3A_133, %add3A_205 : vector<16xi32>
      %gather3A_207 = tpu.vector_load_idx %arg5[%add3A_132, %add3A_206] : memref<128x17xf32, #tpu.memory_space<vmem>>[vector<16xi32>, vector<16xi32>], vector<16xf32>,
      %gt3A_208 = arith.cmpf ogt, %gather3A_207, %select_n3A_200 : vector<16xf32>
      %select_n3A_209 = arith.select %gt3A_208, %gather3A_207, %select_n3A_200 : vector<16xi1>, vector<16xf32>
      %broadcast_in_dim3A_210 = arith.constant 9 : i32
      %broadcast_in_dim3A_211 = vector.broadcast %broadcast_in_dim3A_210 : i32 to vector<16xi32>
      %select_n3A_212 = arith.select %gt3A_208, %broadcast_in_dim3A_211, %select_n3A_203 : vector<16xi1>, vector<16xi32>
      %add3A_213 = arith.constant 10 : i32
      %add3A_214 = vector.broadcast %add3A_213 : i32 to vector<16xi32>
      %add3A_215 = arith.addi %broadcast_in_dim3A_133, %add3A_214 : vector<16xi32>
      %gather3A_216 = tpu.vector_load_idx %arg5[%add3A_132, %add3A_215] : memref<128x17xf32, #tpu.memory_space<vmem>>[vector<16xi32>, vector<16xi32>], vector<16xf32>,
      %gt3A_217 = arith.cmpf ogt, %gather3A_216, %select_n3A_209 : vector<16xf32>
      %select_n3A_218 = arith.select %gt3A_217, %gather3A_216, %select_n3A_209 : vector<16xi1>, vector<16xf32>
      %broadcast_in_dim3A_219 = arith.constant 10 : i32
      %broadcast_in_dim3A_220 = vector.broadcast %broadcast_in_dim3A_219 : i32 to vector<16xi32>
      %select_n3A_221 = arith.select %gt3A_217, %broadcast_in_dim3A_220, %select_n3A_212 : vector<16xi1>, vector<16xi32>
      %add3A_222 = arith.constant 11 : i32
      %add3A_223 = vector.broadcast %add3A_222 : i32 to vector<16xi32>
      %add3A_224 = arith.addi %broadcast_in_dim3A_133, %add3A_223 : vector<16xi32>
      %gather3A_225 = tpu.vector_load_idx %arg5[%add3A_132, %add3A_224] : memref<128x17xf32, #tpu.memory_space<vmem>>[vector<16xi32>, vector<16xi32>], vector<16xf32>,
      %gt3A_226 = arith.cmpf ogt, %gather3A_225, %select_n3A_218 : vector<16xf32>
      %select_n3A_227 = arith.select %gt3A_226, %gather3A_225, %select_n3A_218 : vector<16xi1>, vector<16xf32>
      %broadcast_in_dim3A_228 = arith.constant 11 : i32
      %broadcast_in_dim3A_229 = vector.broadcast %broadcast_in_dim3A_228 : i32 to vector<16xi32>
      %select_n3A_230 = arith.select %gt3A_226, %broadcast_in_dim3A_229, %select_n3A_221 : vector<16xi1>, vector<16xi32>
      %add3A_231 = arith.constant 12 : i32
      %add3A_232 = vector.broadcast %add3A_231 : i32 to vector<16xi32>
      %add3A_233 = arith.addi %broadcast_in_dim3A_133, %add3A_232 : vector<16xi32>
      %gather3A_234 = tpu.vector_load_idx %arg5[%add3A_132, %add3A_233] : memref<128x17xf32, #tpu.memory_space<vmem>>[vector<16xi32>, vector<16xi32>], vector<16xf32>,
      %gt3A_235 = arith.cmpf ogt, %gather3A_234, %select_n3A_227 : vector<16xf32>
      %select_n3A_236 = arith.select %gt3A_235, %gather3A_234, %select_n3A_227 : vector<16xi1>, vector<16xf32>
      %broadcast_in_dim3A_237 = arith.constant 12 : i32
      %broadcast_in_dim3A_238 = vector.broadcast %broadcast_in_dim3A_237 : i32 to vector<16xi32>
      %select_n3A_239 = arith.select %gt3A_235, %broadcast_in_dim3A_238, %select_n3A_230 : vector<16xi1>, vector<16xi32>
      %add3A_240 = arith.constant 13 : i32
      %add3A_241 = vector.broadcast %add3A_240 : i32 to vector<16xi32>
      %add3A_242 = arith.addi %broadcast_in_dim3A_133, %add3A_241 : vector<16xi32>
      %gather3A_243 = tpu.vector_load_idx %arg5[%add3A_132, %add3A_242] : memref<128x17xf32, #tpu.memory_space<vmem>>[vector<16xi32>, vector<16xi32>], vector<16xf32>,
      %gt3A_244 = arith.cmpf ogt, %gather3A_243, %select_n3A_236 : vector<16xf32>
      %select_n3A_245 = arith.select %gt3A_244, %gather3A_243, %select_n3A_236 : vector<16xi1>, vector<16xf32>
      %broadcast_in_dim3A_246 = arith.constant 13 : i32
      %broadcast_in_dim3A_247 = vector.broadcast %broadcast_in_dim3A_246 : i32 to vector<16xi32>
      %select_n3A_248 = arith.select %gt3A_244, %broadcast_in_dim3A_247, %select_n3A_239 : vector<16xi1>, vector<16xi32>
      %add3A_249 = arith.constant 14 : i32
      %add3A_250 = vector.broadcast %add3A_249 : i32 to vector<16xi32>
      %add3A_251 = arith.addi %broadcast_in_dim3A_133, %add3A_250 : vector<16xi32>
      %gather3A_252 = tpu.vector_load_idx %arg5[%add3A_132, %add3A_251] : memref<128x17xf32, #tpu.memory_space<vmem>>[vector<16xi32>, vector<16xi32>], vector<16xf32>,
      %gt3A_253 = arith.cmpf ogt, %gather3A_252, %select_n3A_245 : vector<16xf32>
      %select_n3A_254 = arith.select %gt3A_253, %gather3A_252, %select_n3A_245 : vector<16xi1>, vector<16xf32>
      %broadcast_in_dim3A_255 = arith.constant 14 : i32
      %broadcast_in_dim3A_256 = vector.broadcast %broadcast_in_dim3A_255 : i32 to vector<16xi32>
      %select_n3A_257 = arith.select %gt3A_253, %broadcast_in_dim3A_256, %select_n3A_248 : vector<16xi1>, vector<16xi32>
      %add3A_258 = arith.constant 15 : i32
      %add3A_259 = vector.broadcast %add3A_258 : i32 to vector<16xi32>
      %add3A_260 = arith.addi %broadcast_in_dim3A_133, %add3A_259 : vector<16xi32>
      %gather3A_261 = tpu.vector_load_idx %arg5[%add3A_132, %add3A_260] : memref<128x17xf32, #tpu.memory_space<vmem>>[vector<16xi32>, vector<16xi32>], vector<16xf32>,
      %gt3A_262 = arith.cmpf ogt, %gather3A_261, %select_n3A_254 : vector<16xf32>
      %select_n3A_263 = arith.select %gt3A_262, %gather3A_261, %select_n3A_254 : vector<16xi1>, vector<16xf32>
      %broadcast_in_dim3A_264 = arith.constant 15 : i32
      %broadcast_in_dim3A_265 = vector.broadcast %broadcast_in_dim3A_264 : i32 to vector<16xi32>
      %select_n3A_266 = arith.select %gt3A_262, %broadcast_in_dim3A_265, %select_n3A_257 : vector<16xi1>, vector<16xi32>
      %add3A_267 = arith.constant 16 : i32
      %add3A_268 = vector.broadcast %add3A_267 : i32 to vector<16xi32>
      %add3A_269 = arith.addi %broadcast_in_dim3A_133, %add3A_268 : vector<16xi32>
      %gather3A_270 = tpu.vector_load_idx %arg5[%add3A_132, %add3A_269] : memref<128x17xf32, #tpu.memory_space<vmem>>[vector<16xi32>, vector<16xi32>], vector<16xf32>,
      %gt3A_271 = arith.cmpf ogt, %gather3A_270, %select_n3A_263 : vector<16xf32>
      %select_n3A_272 = arith.select %gt3A_271, %gather3A_270, %select_n3A_263 : vector<16xi1>, vector<16xf32>
      %broadcast_in_dim3A_273 = arith.constant 16 : i32
      %broadcast_in_dim3A_274 = vector.broadcast %broadcast_in_dim3A_273 : i32 to vector<16xi32>
      %select_n3A_275 = arith.select %gt3A_271, %broadcast_in_dim3A_274, %select_n3A_266 : vector<16xi1>, vector<16xi32>
      %neg3A = arith.constant 0.000000e+00 : f32
      %neg3A_276 = vector.broadcast %neg3A : f32 to vector<16xf32>
      %neg3A_277 = arith.subf %neg3A_276, %select_n3A_272 : vector<16xf32>
      %exp3A = math.exp %neg3A_277 : vector<16xf32>
      %add3A_278 = arith.constant 1.000000e+00 : f32
      %add3A_279 = vector.broadcast %add3A_278 : f32 to vector<16xf32>
      %add3A_280 = arith.addf %add3A_279, %exp3A : vector<16xf32>
      %div3A = arith.constant 1.000000e+00 : f32
      %div3A_281 = vector.broadcast %div3A : f32 to vector<16xf32>
      %div3A_282 = arith.divf %div3A_281, %add3A_280 : vector<16xf32>
      %gather3A_283 = tpu.vector_load_idx %arg8[%add3A_132, %select_n3A_275] : memref<128x34xf32, #tpu.memory_space<vmem>>[vector<16xi32>, vector<16xi32>], vector<16xf32>,
      %add3A_284 = arith.constant 17 : i32
      %add3A_285 = vector.broadcast %add3A_284 : i32 to vector<16xi32>
      %add3A_286 = arith.addi %select_n3A_275, %add3A_285 : vector<16xi32>
      %gather3A_287 = tpu.vector_load_idx %arg8[%add3A_132, %add3A_286] : memref<128x34xf32, #tpu.memory_space<vmem>>[vector<16xi32>, vector<16xi32>], vector<16xf32>,
      %add3A_288 = arith.constant 384 : i32
      %add3A_289 = vector.broadcast %add3A_288 : i32 to vector<16xi32>
      %add3A_290 = arith.addi %add3A_289, %add3A_132 : vector<16xi32>
      %convert_element_type3A = arith.sitofp %add3A_290 : vector<16xi32> to vector<16xf32>
      %broadcast_in_dim3A_291 = arith.constant 4.000000e+00 : f32
      %broadcast_in_dim3A_292 = vector.broadcast %broadcast_in_dim3A_291 : f32 to vector<16xf32>
      %convert_element_type3A_293 = arith.sitofp %add3A_61 : i32 to f32
      %mul3A_294 = vector.broadcast %convert_element_type3A_293 : f32 to vector<16xf32>
      %mul3A_295 = arith.mulf %broadcast_in_dim3A_292, %mul3A_294 : vector<16xf32>
      %mul3A_296 = arith.constant 4.000000e+00 : f32
      %mul3A_297 = vector.broadcast %mul3A_296 : f32 to vector<16xf32>
      %mul3A_298 = arith.mulf %convert_element_type3A, %mul3A_297 : vector<16xf32>
      %add3A_299 = arith.addf %mul3A_298, %gather3A_287 : vector<16xf32>
      %convert_element_type3A_300 = arith.fptosi %add3A_299 : vector<16xf32> to vector<16xi32>
      %convert_element_type3A_301 = arith.sitofp %convert_element_type3A_300 : vector<16xi32> to vector<16xf32>
      %add3A_302 = arith.addf %mul3A_295, %gather3A_283 : vector<16xf32>
      %convert_element_type3A_303 = arith.fptosi %add3A_302 : vector<16xf32> to vector<16xi32>
      %convert_element_type3A_304 = arith.sitofp %convert_element_type3A_303 : vector<16xi32> to vector<16xf32>
      %convert_element_type3A_305 = arith.sitofp %select_n3A_275 : vector<16xi32> to vector<16xf32>
      tpu.vector_store_idx %arg11[%add3A_132, %broadcast_in_dim3A_133], %convert_element_type3A_305 : memref<128x4xf32, #tpu.memory_space<vmem>>[vector<16xi32>, vector<16xi32>], vector<16xf32>,
      %add3A_306 = arith.constant 1 : i32
      %add3A_307 = vector.broadcast %add3A_306 : i32 to vector<16xi32>
      %add3A_308 = arith.addi %broadcast_in_dim3A_133, %add3A_307 : vector<16xi32>
      tpu.vector_store_idx %arg11[%add3A_132, %add3A_308], %div3A_282 : memref<128x4xf32, #tpu.memory_space<vmem>>[vector<16xi32>, vector<16xi32>], vector<16xf32>,
      %add3A_309 = arith.constant 2 : i32
      %add3A_310 = vector.broadcast %add3A_309 : i32 to vector<16xi32>
      %add3A_311 = arith.addi %broadcast_in_dim3A_133, %add3A_310 : vector<16xi32>
      tpu.vector_store_idx %arg11[%add3A_132, %add3A_311], %convert_element_type3A_301 : memref<128x4xf32, #tpu.memory_space<vmem>>[vector<16xi32>, vector<16xi32>], vector<16xf32>,
      %add3A_312 = arith.constant 3 : i32
      %add3A_313 = vector.broadcast %add3A_312 : i32 to vector<16xi32>
      %add3A_314 = arith.addi %broadcast_in_dim3A_133, %add3A_313 : vector<16xi32>
      tpu.vector_store_idx %arg11[%add3A_132, %add3A_314], %convert_element_type3A_304 : memref<128x4xf32, #tpu.memory_space<vmem>>[vector<16xi32>, vector<16xi32>], vector<16xf32>,
      %scan3A_315 = arith.constant 0 : i32
      scf.yield %scan3A_315 : i32
    }
    %scan3A_104 = arith.constant 8 : i32
    %dma_start3A_105 = arith.constant 0 : i32
    %dma_start3A_106 = arith.constant 0 : i32
    %dma_start3A_107 = tpu.memref_slice %arg4[%dma_start3A_105, %add3A_65, %dma_start3A_106] : memref<1x262144x4xf32, #tpu.memory_space<hbm>> -> memref<1x128x4xf32, #tpu.memory_space<hbm>>
    %dma_start3A_108 = tpu.memref_squeeze %dma_start3A_107 : memref<1x128x4xf32, #tpu.memory_space<hbm>> -> memref<128x4xf32, #tpu.memory_space<hbm>>
    %dma_start3A_109 = arith.constant 0 : i32
    %dma_start3A_110 = tpu.memref_slice %arg4[%dma_start3A_105, %add3A_65, %dma_start3A_109] : memref<1x262144x4xf32, #tpu.memory_space<hbm>> -> memref<1x128x4xf32, #tpu.memory_space<hbm>>
    %dma_start3A_111 = tpu.memref_squeeze %dma_start3A_110 : memref<1x128x4xf32, #tpu.memory_space<hbm>> -> memref<128x4xf32, #tpu.memory_space<hbm>>
    tpu.enqueue_dma source(%arg11 : memref<128x4xf32, #tpu.memory_space<vmem>>) target(%dma_start3A_111 : memref<128x4xf32, #tpu.memory_space<hbm>>) target_semaphore(%arg18 : memref<!tpu.dma_semaphore, #tpu.memory_space<semaphore_mem>>)
    %mul3A_112 = arith.constant 16 : i32
    %mul3A_113 = arith.muli %add3A, %mul3A_112 : i32
    %add3A_114 = arith.constant 15 : i32
    %add3A_115 = arith.addi %mul3A_113, %add3A_114 : i32
    %mul3A_116 = arith.constant 512 : i32
    %mul3A_117 = arith.muli %add3A_115, %mul3A_116 : i32
    %add3A_118 = arith.constant 384 : i32
    %add3A_119 = arith.addi %mul3A_117, %add3A_118 : i32
    %dma_wait3A_120 = arith.constant 0 : i32
    %dma_wait3A_121 = arith.constant 0 : i32
    %dma_wait3A_122 = tpu.memref_slice %arg4[%dma_wait3A_120, %add3A_119, %dma_wait3A_121] : memref<1x262144x4xf32, #tpu.memory_space<hbm>> -> memref<1x128x4xf32, #tpu.memory_space<hbm>>
    %dma_wait3A_123 = tpu.memref_squeeze %dma_wait3A_122 : memref<1x128x4xf32, #tpu.memory_space<hbm>> -> memref<128x4xf32, #tpu.memory_space<hbm>>
    %dma_wait3A_124 = arith.constant 0 : i32
    %dma_wait3A_125 = tpu.memref_slice %arg4[%dma_wait3A_120, %add3A_119, %dma_wait3A_124] : memref<1x262144x4xf32, #tpu.memory_space<hbm>> -> memref<1x128x4xf32, #tpu.memory_space<hbm>>
    %dma_wait3A_126 = tpu.memref_squeeze %dma_wait3A_125 : memref<1x128x4xf32, #tpu.memory_space<hbm>> -> memref<128x4xf32, #tpu.memory_space<hbm>>
    tpu.wait_dma2 semaphore(%arg18 : memref<!tpu.dma_semaphore, #tpu.memory_space<semaphore_mem>>) src(%arg11 : memref<128x4xf32, #tpu.memory_space<vmem>>) dst(%dma_wait3A_126 : memref<128x4xf32, #tpu.memory_space<hbm>>)
    return
  }
}

</mosaic_0001>

<sc_bundles>
// kernel: kernel.3.cloned.1.call-start
scs
__scs_entry_jumppad:
0x0: {  	(pc) =	sbr.rel $0x88, $3  }
0x1: {  	(tag) =	ssettag $0x0;
	lr =	simm.s32 $0x1  }
0x2: {  	[smem:$0x3F9F] =	sst lr;
	_ =	strace $0xD0000000  }
0x3: {  	_ = 	snop  }
0x4: {  	_ = 	snop  }
0x5: {  	_ = 	snop  }
0x6: {  	_ = 	snop  }
0x7: {  	_ = 	snop  }
__scs_overlays_trampoline_lowered:
0x8: {  	[smem:$0x3FAE] =	sst s0  }
0x9: {  	[smem:$0x3FAF] =	sst s1  }
0xa: {  	[smem:$0x3FB0] =	sst s2  }
0xb: {  	[smem:$0x3FB1] =	sst s3  }
0xc: {  	[smem:$0x3FB2] =	sst s4  }
0xd: {  	[smem:$0x3FB3] =	sst s5  }
0xe: {  	[smem:$0x3FB4] =	sst s6  }
0xf: {  	[smem:$0x3FB5] =	sst s7  }
0x10: {  	[smem:$0x3FB6] =	sst s8  }
0x11: {  	[smem:$0x3FB7] =	sst s9;
	s0 =	simm.s32 @!p0 $0x0  }
0x12: {  	s1 =	sld [smem:$0x3F9D];
	s0 =	simm.s32 @p0 $0x1  }
0x13: {  	[smem:$0x3FB8] =	sst s0;
	s0 =	simm.s32 @!p1 $0x0  }
0x14: {  	s2 =	sld [smem:$0x3F9C];
	s0 =	simm.s32 @p1 $0x1  }
0x15: {  	[smem:$0x3FB9] =	sst s0;
	s0 =	simm.s32 @!p2 $0x0  }
0x16: {  	s3 =	sld [smem:$0x3FDB];
	s0 =	simm.s32 @p2 $0x1  }
0x17: {  	s4 =	simm.s32 $0x1BF5;
	[smem:$0x3FBB] =	sst s0  }
0x18: {  	s0 =	sld [smem:$0x3F9E];
	_ =	swait.ge [sflag:s4], $0x0  }
0x19: {  	s7 =	sld [smem:$0x3F9F]  }
0x1a: {  	s8 =	sadd.s32 $0xFFFFE003, lr  }
0x1b: {  	s9 =	sadd.s32 $0xFFFFFEF7, lr;
	s5 =	simm.s32 $0xFFFFFFFF;
	p2 =	slt.u32 s8, $0xFFFFF086  }
0x1c: {  	p1 =	slt.u32 s9, $0xF7A;
	s5 =	simm.s32 @!p2 $0x0  }
0x1d: {  	s5 =	simm.s32 @p1 $0x1;
	p0 =	seq.s32 s7, s2  }
0x1e: {  	s7 =	smul.u32 @!p0 $0xF7A, s2;
	p2 =	seq.s32 @!p0 s5, $0x0  }
0x1f: {  	s9 =	smul.u32 $0xF7A, s1;
	s8 =	simm.s32 @!p0 $0x1BF5;
	p2 =	por !p2, p0  }
0x20: {  	[sflag:s8] =	ssyncset.s32 @!p0 $0xFFFFF086;
	s6 =	sadd.s32 @!p0 s3, s7;
	s7 =	simm.s32 @!p0 $0x108  }
0x21: {  	s3 =	sadd.s32 s3, s9;
	s6 =	sadd.s32 @!p0 $0x88, s6;
	s7 =	simm.s32 @p2 $0x1082  }
0x22: {  	[simem:s7], [sflag:s8] =	dma.local @!p0 [hbm:s6], $0xF7A  }
0x23: {  	s9 =	sor.u32 $0xD0000000, s2;
	s6 =	simm.s32 $0x108;
	_ =	swait.ge @!p0 [sflag:s8], $0x0  }
0x24: {  	s3 =	sadd.s32 $0x88, s3;
	s6 =	simm.s32 @!p1 $0x1082;
	[sflag:s4] =	ssyncset.s32 $0xFFFFF086  }
0x25: {  	[simem:s6], [sflag:s4] =	dma.local [hbm:s3], $0xF7A  }
0x26: {  	[smem:$0x3F9F] =	sst s1;
	(tag) =	ssettag s2;
	_ =	strace s9  }
0x27: {  	s1 =	sld [smem:$0x3FAF]  }
0x28: {  	s2 =	sld [smem:$0x3FB0]  }
0x29: {  	s4 =	sld [smem:$0x3FB2]  }
0x2a: {  	p0 =	seq.s32 s5, $0x0;
	s5 =	sld [smem:$0x3FB3]  }
0x2b: {  	s6 =	sld [smem:$0x3FB4]  }
0x2c: {  	s7 =	sld [smem:$0x3FB5]  }
0x2d: {  	s3 =	simm.s32 $0x108;
	s8 =	sld [smem:$0x3FB6]  }
0x2e: {  	s3 =	simm.s32 @!p0 $0x1082;
	s9 =	sld [smem:$0x3FB7]  }
0x2f: {  	lr =	sadd.s32 s0, s3;
	s0 =	sld [smem:$0x3FAE]  }
0x30: {  	s3 =	sld [smem:$0x3FB1]  }
0x31: {  	[smem:$0x3FBA] =	sst s10  }
0x32: {  	s10 =	sld [smem:$0x3FB8];
	_ =	sdelay $0x3  }
0x33: {  	p0 =	seq.s32 s10, $0x1;
	s10 =	sld [smem:$0x3FBA];
	_ =	sdelay $0x3  }
0x34: {  	[smem:$0x3FBA] =	sst s10  }
0x35: {  	s10 =	sld [smem:$0x3FB9];
	_ =	sdelay $0x3  }
0x36: {  	p1 =	seq.s32 s10, $0x1;
	s10 =	sld [smem:$0x3FBA];
	_ =	sdelay $0x3  }
0x37: {  	[smem:$0x3FBA] =	sst s10  }
0x38: {  	s10 =	sld [smem:$0x3FBB]  }
0x39: {  	_ = 	snop;
	(pc) =	sbr.ind lr, $3  }
0x3a: {  	_ = 	snop  }
0x3b: {  	_ = 	snop  }
0x3c: {  	p2 =	seq.s32 s10, $0x1;
	s10 =	sld [smem:$0x3FBA]  }
0x3d: {  	_ =	shalt  }
0x3e: {  	_ =	shalt  }
0x3f: {  	_ =	shalt  }
0x40: {  	_ =	shalt  }
0x41: {  	_ =	shalt  }
0x42: {  	_ =	shalt  }
0x43: {  	_ =	shalt  }
0x44: {  	_ =	shalt  }
0x45: {  	_ =	shalt  }
0x46: {  	_ =	shalt  }
0x47: {  	_ =	shalt  }
0x48: {  	_ =	shalt  }
0x49: {  	_ =	shalt  }
0x4a: {  	_ =	shalt  }
0x4b: {  	_ =	shalt  }
0x4c: {  	_ =	shalt  }
0x4d: {  	_ =	shalt  }
0x4e: {  	_ =	shalt  }
0x4f: {  	_ =	shalt  }
0x50: {  	_ =	shalt  }
0x51: {  	_ =	shalt  }
0x52: {  	_ =	shalt  }
0x53: {  	_ =	shalt  }
0x54: {  	_ =	shalt  }
0x55: {  	_ =	shalt  }
0x56: {  	_ =	shalt  }
0x57: {  	_ =	shalt  }
0x58: {  	_ =	shalt  }
0x59: {  	_ =	shalt  }
0x5a: {  	_ =	shalt  }
0x5b: {  	_ =	shalt  }
0x5c: {  	_ =	shalt  }
0x5d: {  	_ =	shalt  }
0x5e: {  	_ =	shalt  }
0x5f: {  	_ =	shalt  }
0x60: {  	_ =	shalt  }
0x61: {  	_ =	shalt  }
0x62: {  	_ =	shalt  }
0x63: {  	_ =	shalt  }
0x64: {  	_ =	shalt  }
0x65: {  	_ =	shalt  }
0x66: {  	_ =	shalt  }
0x67: {  	_ =	shalt  }
0x68: {  	_ =	shalt  }
0x69: {  	_ =	shalt  }
0x6a: {  	_ =	shalt  }
0x6b: {  	_ =	shalt  }
0x6c: {  	_ =	shalt  }
0x6d: {  	_ =	shalt  }
0x6e: {  	_ =	shalt  }
0x6f: {  	_ =	shalt  }
0x70: {  	_ =	shalt  }
0x71: {  	_ =	shalt  }
0x72: {  	_ =	shalt  }
0x73: {  	_ =	shalt  }
0x74: {  	_ =	shalt  }
0x75: {  	_ =	shalt  }
0x76: {  	_ =	shalt  }
0x77: {  	_ =	shalt  }
0x78: {  	_ =	shalt  }
0x79: {  	_ =	shalt  }
0x7a: {  	_ =	shalt  }
0x7b: {  	_ =	shalt  }
0x7c: {  	_ =	shalt  }
0x7d: {  	_ =	shalt  }
0x7e: {  	_ =	shalt  }
0x7f: {  	_ =	shalt  }
0x80: {  	_ =	shalt  }
0x81: {  	_ =	shalt  }
0x82: {  	_ =	shalt  }
0x83: {  	_ =	shalt  }
0x84: {  	_ =	shalt  }
0x85: {  	_ =	shalt  }
0x86: {  	_ =	shalt  }
0x87: {  	_ =	shalt  }
.Lfunc_end0:
.L_simem_size_0:
called_computation_lowered:
.L_overlay_start_0:
0x88: {  	s2 =	sld [smem:$0x3FD9]  }
0x89: {  	s3 =	sld [smem:$0x3FFE];
	_ =	sdelay $0x1  }
0x8a: {  	s1 =	srdreg.scid  }
0x8b: {  	s0 =	sand.u32 $0x1, s1  }
0x8c: {  	s16 =	sshll.u32 s0, $0xA;
	s2 =	sadd.s32 s3, s2  }
0x8d: {  	s2 =	sadd.s32 s2, s16  }
0x8e: {  	[smem:$0x3FC6] =	sst s2  }
0x8f: {  	_ = 	snop  }
0x90: {  	(tm) =	ssettm $0x1  }
0x91: {  	s17 =	sld [smem:$0x3FFB];
	_ =	sdelay $0x3  }
0x92: {  	_ =	strace s17  }
0x93: {  	s2 =	sld [smem:$0x3FFC];
	_ =	sdelay $0x3  }
0x94: {  	_ =	strace s2  }
0x95: {  	s2 =	sld [smem:$0x3FFD];
	_ =	sdelay $0x3  }
0x96: {  	_ =	strace s2  }
0x97: {  	_ =	strace $0x8FFFFFFF  }
0x98: {  	s18 =	sld [smem:$0x3FDB];
	_ =	sdelay $0x1  }
0x99: {  	s19 =	simm.s32 $_scs_section_size  }
0x9a: {  	s4 =	simm.s32 $_size__tile_overlayer_lowered;
	s5 =	simm.s32 $_tile_overlayer_lowered  }
0x9b: {  	s22 =	simm.s32 $0x1BFF;
	s21 =	sshll.u32 s5, $0x1;
	s2 =	sadd.s32 s19, s18  }
0x9c: {  	s6 =	simm.s32 $0x0;
	s20 =	sshll.u32 s4, $0x1;
	s4 =	sadd.s32 s21, s2  }
0x9d: {  	[timem:s6], [sflag:s22] =	dma.local [hbm:s4], s20  }
0x9e: {  	_ =	swait.ge [sflag:s22], s20  }
0x9f: {  	s3 =	ssub.s32 $0x0, s20;
	[sflag:s22] =	ssyncset.done $0x0  }
0xa0: {  	[sflag:s22] =	ssyncadd.s32 s3;
	_ =	sdelay $0x1  }
0xa1: {  	s23 =	simm.s32 $0x1B8B  }
0xa2: {  	_ =	swait.ge [sflag:s23], $0x1  }
0xa3: {  	[sflag:s23] =	ssyncset.done $0x0  }
0xa4: {  	s25 =	simm.s32 $0x1B8E;
	s24 =	sld [smem:$0x3FFE];
	[sflag:s23] =	ssyncadd.s32 $0xFFFFFFFF  }
0xa5: {  	s26 =	simm.s32 $execute0_lowered;
	[smem:$0x3FD2] =	sst s25  }
0xa6: {  	s4 =	sshll.u32 s26, $0x1;
	_ =	strace $0x80000046;
	[dreg:$0x1] =	wrdreg $0xFFFFFFFF  }
0xa7: {  	s28 =	simm.s32 $_size_execute0_lowered;
	s2 =	sadd.s32 s2, s4;
	[dreg:$0x0] =	wrdreg $0x0  }
0xa8: {  	s4 =	sshll.u32 s28, $0x1;
	[dreg:$0x2] =	wrdreg s2  }
0xa9: {  	[dreg:$0x3] =	wrdreg s4  }
0xaa: {  	[dreg:$0x4] =	wrdreg $0xC0  }
0xab: {  	_ =	task [dreg:s6], $0x5FFFF  }
0xac: {  	[dreg:$0x1] =	wrdreg $0xFFFFFFFF  }
0xad: {  	[dreg:$0x0] =	wrdreg $0x60  }
0xae: {  	[dreg:$0x2] =	wrdreg s24  }
0xaf: {  	[dreg:$0x3] =	wrdreg $0x9  }
0xb0: {  	_ =	task.clear_ibuf [dreg:s6], $0x4FFFF;
	_ =	strace $0x90000046  }
0xb1: {  	s29 =	simm.s32 $0x9;
	_ =	strace $0x80000048  }
0xb2: {  	_ =	swait.ge [sflag:s29], $0x1  }
0xb3: {  	[sflag:s29] =	ssyncadd.s32 $0xFFFFFFFF  }
0xb4: {  	_ =	strace $0x90000048  }
0xb5: {  	_ =	sfence  }
0xb6: {  	s30 =	sld [smem:$0x0];
	_ =	sdelay $0x2  }
0xb7: {  	s31 =	sshll.u32 s1, $0xD;
	s1 =	sshrl.u32 s1, $0x2  }
0xb8: {  	s3 =	sand.u32 $0x4000, s31;
	s1 =	sadd.s32 s1, s30  }
0xb9: {  	s0 =	sor.u32 s3, s0;
	s1 =	sshll.u32 s1, $0x11  }
0xba: {  	s0 =	sor.u32 s1, s0  }
0xbb: {  	s0 =	sadd.s32 $0x8F2B, s0  }
0xbc: {  	[sflag:s0] =	ssyncadd.remote.s32 $0x1  }
0xbd: {  	_ =	sfence.sel $0xFFFF  }
0xbe: {  	[dreg:$0x0] =	wrdreg $0xFFFFFFFF;
	(pc) =	sbr.abs _section_cstart, $3  }
0xbf: {  	[dreg:$0x1] =	wrdreg $0xFFFFFFFF  }
0xc0: {  	_ =	task.clear_ibuf [dreg:s6], $0x2FFFF;
	_ =	strace $0x9FFFFFFF  }
0xc1: {  	(tm) =	ssettm $0x7FFFFFFF  }
tec
execute0_lowered:
.L_overlay_start_1:
0x0: {  	(tag) =	ssettag $0x1  }
0x1: {  	s0 =	rddreg [dreg:$0x0]  }
0x2: {  	s1 =	simm.s32 $0x0;
	s2 =	srdreg.scid;
	s5 =	stileid.u32  }
0x3: {  	s13 =	simm.s32 $0xC000;
	s14 =	simm.s32 $0x4000;
	s15 =	simm.s32 $0x10000  }
0x4: {  	s16 =	simm.s32 $0x1;
	s17 =	simm.s32 $0x4;
	s18 =	simm.s32 $0x8000  }
0x5: {  	s19 =	simm.s32 $0x14000;
	s20 =	simm.s32 $0x18000;
	s21 =	simm.s32 $0x2  }
0x6: {  	s22 =	simm.s32 $0x5;
	s23 =	simm.s32 $0x7;
	s24 =	simm.s32 $0x3  }
0x7: {  	s25 =	simm.s32 $0x6;
	[smem:$0x7FF] =	sst s1;
	s2 =	sand.u32 $0x1, s2  }
0x8: {  	s6 =	sshll.u32 s5, $0x5;
	s7 =	ssub.s32 $0x2, s2;
	s2 =	sshll.u32 s2, $0x4  }
0x9: {  	s3 =	sadd.s32 $0x400, s0;
	s4 =	sadd.s32 $0x400400, s0;
	s6 =	sor.u32 s2, s6  }
0xa: {  	s5 =	sadd.s32 $0x800400, s0;
	s26 =	sshrl.u32 s7, $0x1;
	s28 =	sor.u32 $0xF, s6  }
0xb: {  	s0 =	ssub.s32 s7, s26;
	s2 =	sshll.u32 s6, $0xD;
	s7 =	scvt.s32.f32 s28  }
0xc: {  	_ =	strace $0x80000047;
	s26 =	simm.s32 $0x0;
	s8 =	sadd.s32 s3, s2  }
0xd: {  	s29 =	sor.u32 $0x800, s2;
	s2 =	sadd.s32 s4, s2;
	[dreg:$0x2] =	wrdreg s8;
	v0 =	vmov s7  }
0xe: {  	s9 =	sshll.u32 s28, $0xD;
	[dreg:$0x3] =	wrdreg s2;
	s30 =	sadd.s32 s3, s29;
	v1 =	vmul.f32 $4.000000000e+00, v0  }
0xf: {  	s31 =	sadd.s32 s9, s5;
	s8 =	sadd.s32 s4, s29;
	[dreg:$0x4] =	wrdreg s30;
	v0 =	vlaneseq.u32  }
0x10: {  	v3 =	vimm.s32 $0x0;
	s12 =	smax.u32 s0, $0x1;
	[dreg:$0x5] =	wrdreg s8;
	s11 =	sadd.s32 $0x1800, s31;
	v2 =	vmul.u32 $0x80, v0;
	v1 =	vbroadcast v1, $0x0  }
.LBB2_1:
0x11: {  	s0 =	rddreg [dreg:$0x2]  }
0x12: {  	[tilespmem:s1], [sflag:$0x1] =	stream.linear.gather [hbm4b:s0+s1], $0x4000, $0x38;
	[tilespmem:$0x1C000] =	vst v63  }
0x13: {  	s29 =	rddreg [dreg:$0x3]  }
0x14: {  	[tilespmem:s13], [sflag:$0x4] =	stream.linear.gather [hbm4b:s29+s1], $0x4000, $0x38;
	[tilespmem:$0x1C000] =	vst v63  }
0x15: {  	s30 =	rddreg [dreg:$0x4]  }
0x16: {  	[tilespmem:s14], [sflag:$0x2] =	stream.linear.gather [hbm4b:s30+s1], $0x4000, $0x38;
	[tilespmem:$0x1C000] =	vst v63  }
0x17: {  	s31 =	rddreg [dreg:$0x5];
	s28 =	simm.s32 $0x0  }
0x18: {  	[tilespmem:s15], [sflag:$0x5] =	stream.linear.gather [hbm4b:s31+s1], $0x4000, $0x38;
	[tilespmem:$0x1C000] =	vst v63  }
.LBB2_2:
0x19: {  	s0 =	smul.u32 $0x3, s28;
	_ =	sdelay $0x1  }
0x1a: {  	_ =	swait.ge [sflag:s16], $0x4000;
	s30 =	sadd.s32 $0x2, s0  }
0x1b: {  	[sflag:s16] =	ssyncset.done $0x0;
	s2 =	sshrl.u32 s30, $0x2  }
0x1c: {  	[sflag:s16] =	ssyncadd.s32 $0xFFFFC000;
	s8 =	sshll.u32 s30, $0xB;
	s31 =	sadd.s32 s6, s2  }
0x1d: {  	_ =	swait.ge [sflag:s17], $0x4000;
	s2 =	sand.u32 $0x1800, s8;
	s29 =	sshll.u32 s31, $0xD  }
0x1e: {  	[sflag:s17] =	ssyncset.done $0x0;
	s2 =	sor.u32 s2, s29  }
0x1f: {  	s8 =	simm.s32 $0x0;
	[sflag:s17] =	ssyncadd.s32 $0xFFFFC000;
	s7 =	sadd.s32 s3, s2  }
0x20: {  	v4 =	vmov s8;
	[tilespmem:s18], [sflag:$0x3] =	stream.linear.gather [hbm4b:s7+s1], $0x4000, $0x38;
	[tilespmem:$0x1C000] =	vst v63  }
0x21: {  	p0 =	seq.s32 s28, $0x0;
	v4 =	vshll.u32 v4, $0x7;
	s2 =	sadd.s32 s4, s2  }
0x22: {  	v7 =	vor.u32 v2, v4;
	[tilespmem:s19], [sflag:$0x6] =	stream.linear.gather [hbm4b:s2+s1], $0x4000, $0x38;
	[tilespmem:$0x1C000] =	vst v63  }
0x23: {  	v8 =	vor.u32 $0x1, v7;
	s2 =	simm.s32 @!p0 $0x7  }
0x24: {  	_ =	swait.ge @!p0 [sflag:s2], $0x4000  }
0x25: {  	v17 =	vor.u32 $0x2, v7;
	[sflag:s2] =	ssyncset.done @!p0 $0x0  }
0x26: {  	[sflag:s2] =	ssyncadd.s32 @!p0 $0xFFFFC000  }
0x27: {  	v5 =	vor.u32 $0x3, v7;
	v4 =	vld.idx.msk [tilespmem:v7+s1+$0x0], $0xffff  }
0x28: {  	v6 =	vld.idx.msk [tilespmem:v8+s1+$0x0], $0xffff  }
0x29: {  	v9 =	vor.u32 $0x4, v7  }
0x2a: {  	v10 =	vld.idx.msk [tilespmem:v17+s1+$0x0], $0xffff  }
0x2b: {  	v11 =	vor.u32 $0x5, v7  }
0x2c: {  	v12 =	vld.idx.msk [tilespmem:v5+s1+$0x0], $0xffff  }
0x2d: {  	v13 =	vor.u32 $0x6, v7;
	vm0 =	vgt.f32 v6, v4  }
0x2e: {  	v9 =	vld.idx.msk [tilespmem:v9+s1+$0x0], $0xffff;
	v4 =	vsel vm0, v6, v4  }
0x2f: {  	v6 =	vor.u32 $0x7, v7;
	vm1 =	vgt.f32 v10, v4  }
0x30: {  	v11 =	vld.idx.msk [tilespmem:v11+s1+$0x0], $0xffff;
	v4 =	vsel vm1, v10, v4  }
0x31: {  	v10 =	vor.u32 $0x8, v7;
	vm2 =	vgt.f32 v12, v4  }
0x32: {  	v13 =	vld.idx.msk [tilespmem:v13+s1+$0x0], $0xffff;
	v4 =	vsel vm2, v12, v4  }
0x33: {  	v12 =	vor.u32 $0x9, v7;
	vm3 =	vgt.f32 v9, v4  }
0x34: {  	v6 =	vld.idx.msk [tilespmem:v6+s1+$0x0], $0xffff;
	v4 =	vsel vm3, v9, v4  }
0x35: {  	v9 =	vor.u32 $0xA, v7;
	vm4 =	vgt.f32 v11, v4  }
0x36: {  	v10 =	vld.idx.msk [tilespmem:v10+s1+$0x0], $0xffff;
	v4 =	vsel vm4, v11, v4  }
0x37: {  	v11 =	vor.u32 $0xB, v7;
	vm5 =	vgt.f32 v13, v4  }
0x38: {  	v12 =	vld.idx.msk [tilespmem:v12+s1+$0x0], $0xffff;
	v4 =	vsel vm5, v13, v4  }
0x39: {  	v13 =	vor.u32 $0xC, v7;
	vm6 =	vgt.f32 v6, v4  }
0x3a: {  	v9 =	vld.idx.msk [tilespmem:v9+s1+$0x0], $0xffff;
	v4 =	vsel vm6, v6, v4  }
0x3b: {  	v6 =	vor.u32 $0xD, v7;
	vm7 =	vgt.f32 v10, v4  }
0x3c: {  	v11 =	vld.idx.msk [tilespmem:v11+s1+$0x0], $0xffff;
	v4 =	vsel vm7, v10, v4  }
0x3d: {  	v10 =	vor.u32 $0xE, v7;
	vm8 =	vgt.f32 v12, v4  }
0x3e: {  	v13 =	vld.idx.msk [tilespmem:v13+s1+$0x0], $0xffff;
	v4 =	vsel vm8, v12, v4  }
0x3f: {  	v12 =	vor.u32 $0xF, v7;
	vm9 =	vgt.f32 v9, v4  }
0x40: {  	v6 =	vld.idx.msk [tilespmem:v6+s1+$0x0], $0xffff;
	v4 =	vsel vm9, v9, v4  }
0x41: {  	v9 =	vor.u32 $0x10, v7;
	vm10 =	vgt.f32 v11, v4  }
0x42: {  	v10 =	vld.idx.msk [tilespmem:v10+s1+$0x0], $0xffff;
	v4 =	vsel vm10, v11, v4  }
0x43: {  	vm11 =	vgt.f32 v13, v4  }
0x44: {  	v11 =	vld.idx.msk [tilespmem:v12+s1+$0x0], $0xffff;
	v4 =	vsel vm11, v13, v4  }
0x45: {  	vm12 =	vgt.f32 v6, v4  }
0x46: {  	v12 =	vsel vm0, $0x1, v3;
	v9 =	vld.idx.msk [tilespmem:v9+s1+$0x0], $0xffff;
	v4 =	vsel vm12, v6, v4  }
0x47: {  	v6 =	vsel vm1, $0x2, v12;
	vm13 =	vgt.f32 v10, v4  }
0x48: {  	v6 =	vsel vm2, $0x3, v6;
	v4 =	vsel vm13, v10, v4  }
0x49: {  	v6 =	vsel vm3, $0x4, v6;
	vm14 =	vgt.f32 v11, v4  }
0x4a: {  	v6 =	vsel vm4, $0x5, v6;
	v4 =	vsel vm14, v11, v4  }
0x4b: {  	v6 =	vsel vm5, $0x6, v6;
	vm15 =	vgt.f32 v9, v4  }
0x4c: {  	v6 =	vsel vm6, $0x7, v6;
	v4 =	vsel vm15, v9, v4  }
0x4d: {  	v6 =	vsel vm7, $0x8, v6;
	v4 =	vsub.f32 $0.0e+00, v4  }
0x4e: {  	v6 =	vsel vm8, $0x9, v6  }
0x4f: {  	v6 =	vsel vm9, $0xA, v6;
	v4 =	vmul.f32 $1.442695020e+00, v4  }
0x50: {  	v6 =	vsel vm10, $0xB, v6  }
0x51: {  	v6 =	vsel vm11, $0xC, v6;
	(erf) = vpow2.f32 v4  }
0x52: {  	v4 =	vsel vm12, $0xD, v6  }
0x53: {  	v4 =	vsel vm13, $0xE, v4  }
0x54: {  	v4 =	vsel vm14, $0xF, v4  }
0x55: {  	v9 =	vsel vm15, $0x10, v4  }
0x56: {  	v4 =	vadd.s32 v7, v9  }
0x57: {  	v6 =	vadd.s32 $0x11, v4  }
0x58: {  	s9 =	smul.u32 $0x180, s28;
	v10 =	vor.u32 v7, v9  }
0x59: {  	s10 =	sshrl.u32 s0, $0x2  }
0x5a: {  	s7 =	sand.u32 $0x180, s9;
	s2 =	sadd.s32 s6, s10;
	v11 =	vpop (erf)  }
0x5b: {  	s9 =	scvt.s32.f32 s2;
	v4 =	vor.u32 s7, v0;
	v11 =	vadd.f32 $1.000000000e+00, v11  }
0x5c: {  	v12 =	vld.idx.msk [tilespmem:v6+s13+$0x0], $0xffff;
	v6 =	vor.u32 s8, v4  }
0x5d: {  	v13 =	vmov s9;
	v10 =	vld.idx.msk [tilespmem:v10+s13+$0x0], $0xffff;
	v6 =	vcvt.s32.f32 v6;
	(erf) = vrcp.f32 v11  }
0x5e: {  	v11 =	vmul.f32 $4.000000000e+00, v13  }
0x5f: {  	v13 =	vmul.f32 $4.000000000e+00, v6  }
0x60: {  	v6 =	vbroadcast v11, $0x0  }
0x61: {  	v11 =	vadd.f32 v12, v13  }
0x62: {  	s8 =	simm.s32 $0x10;
	v10 =	vadd.f32 v10, v6  }
0x63: {  	v12 =	vcvt.s32.f32 v9;
	v9 =	vmov s8;
	v11 =	vtrunc.f32 v11  }
0x64: {  	v9 =	vshll.u32 v9, $0x7;
	v11 =	vcvt.f32.s32 v11;
	v10 =	vtrunc.f32 v10  }
0x65: {  	v9 =	vor.u32 v2, v9;
	v10 =	vcvt.f32.s32 v10  }
0x66: {  	[tilespmem:v7+s20+$0x0] =	vst.idx.msk $0xffff, v12;
	v15 =	vor.u32 $0x1, v9;
	v14 =	vor.u32 $0x4, v9;
	v18 =	vcvt.s32.f32 v11;
	v7 =	vpop (erf)  }
0x67: {  	v13 =	vor.u32 $0x6, v9;
	v12 =	vor.u32 $0x8, v9;
	v16 =	vcvt.s32.f32 v10;
	[tilespmem:v8+s20+$0x0] =	vst.idx.msk $0xffff, v7  }
0x68: {  	s9 =	simm.s32 $0x20;
	v11 =	vor.u32 $0x7, v9;
	v10 =	vor.u32 $0x9, v9;
	v7 =	vor.u32 $0x2, v9;
	v8 =	vmovc v15;
	[tilespmem:v17+s20+$0x0] =	vst.idx.msk $0xffff, v18  }
.LBB2_3:
0x69: {  	p0 =	sne.s32 s9, $0x70;
	v17 =	vor.u32 $0xA, v9;
	v18 =	vor.u32 $0xB, v9;
	v19 =	vor.u32 $0xC, v9;
	[tilespmem:v5+s20+$0x0] =	vst.idx.msk $0xffff, v16;
	s10 =	smov.u32 s9;
	s9 =	sadd.s32 $0x10, s9  }
0x6a: {  	v5 =	vor.u32 $0x3, v9;
	v20 =	vor.u32 $0xD, v9;
	v21 =	vor.u32 $0xE, v9;
	v16 =	vld.idx.msk [tilespmem:v9+s1+$0x0], $0xffff  }
0x6b: {  	v22 =	vor.u32 $0xF, v9;
	v23 =	vor.u32 $0x10, v9;
	v15 =	vld.idx.msk [tilespmem:v15+s1+$0x0], $0xffff;
	_ =	sdelay $0x1  }
0x6c: {  	v24 =	vld.idx.msk [tilespmem:v7+s1+$0x0], $0xffff  }
0x6d: {  	v25 =	vor.u32 $0x5, v9  }
0x6e: {  	v26 =	vld.idx.msk [tilespmem:v5+s1+$0x0], $0xffff;
	_ =	sdelay $0x1  }
0x6f: {  	vm0 =	vgt.f32 v15, v16;
	v14 =	vld.idx.msk [tilespmem:v14+s1+$0x0], $0xffff  }
0x70: {  	v15 =	vsel vm0, v15, v16  }
0x71: {  	vm1 =	vgt.f32 v24, v15;
	v16 =	vld.idx.msk [tilespmem:v25+s1+$0x0], $0xffff  }
0x72: {  	v15 =	vsel vm1, v24, v15  }
0x73: {  	vm2 =	vgt.f32 v26, v15;
	v13 =	vld.idx.msk [tilespmem:v13+s1+$0x0], $0xffff  }
0x74: {  	v15 =	vsel vm2, v26, v15  }
0x75: {  	vm3 =	vgt.f32 v14, v15;
	v11 =	vld.idx.msk [tilespmem:v11+s1+$0x0], $0xffff  }
0x76: {  	v14 =	vsel vm3, v14, v15  }
0x77: {  	vm4 =	vgt.f32 v16, v14;
	v12 =	vld.idx.msk [tilespmem:v12+s1+$0x0], $0xffff  }
0x78: {  	v14 =	vsel vm4, v16, v14  }
0x79: {  	vm5 =	vgt.f32 v13, v14;
	v10 =	vld.idx.msk [tilespmem:v10+s1+$0x0], $0xffff  }
0x7a: {  	v13 =	vsel vm5, v13, v14  }
0x7b: {  	vm6 =	vgt.f32 v11, v13;
	v14 =	vld.idx.msk [tilespmem:v17+s1+$0x0], $0xffff  }
0x7c: {  	v11 =	vsel vm6, v11, v13  }
0x7d: {  	vm7 =	vgt.f32 v12, v11;
	v13 =	vld.idx.msk [tilespmem:v18+s1+$0x0], $0xffff  }
0x7e: {  	v11 =	vsel vm7, v12, v11  }
0x7f: {  	v12 =	vsel vm0, $0x1, v3;
	vm0 =	vgt.f32 v10, v11;
	v15 =	vld.idx.msk [tilespmem:v19+s1+$0x0], $0xffff  }
0x80: {  	v12 =	vsel vm1, $0x2, v12;
	v10 =	vsel vm0, v10, v11  }
0x81: {  	v11 =	vsel vm2, $0x3, v12;
	vm1 =	vgt.f32 v14, v10;
	v12 =	vld.idx.msk [tilespmem:v20+s1+$0x0], $0xffff  }
0x82: {  	v11 =	vsel vm3, $0x4, v11;
	v10 =	vsel vm1, v14, v10  }
0x83: {  	v11 =	vsel vm4, $0x5, v11;
	vm2 =	vgt.f32 v13, v10;
	v14 =	vld.idx.msk [tilespmem:v21+s1+$0x0], $0xffff  }
0x84: {  	v11 =	vsel vm5, $0x6, v11;
	v10 =	vsel vm2, v13, v10  }
0x85: {  	v11 =	vsel vm6, $0x7, v11;
	vm3 =	vgt.f32 v15, v10;
	v13 =	vld.idx.msk [tilespmem:v22+s1+$0x0], $0xffff  }
0x86: {  	v11 =	vsel vm7, $0x8, v11;
	v10 =	vsel vm3, v15, v10  }
0x87: {  	v11 =	vsel vm0, $0x9, v11;
	vm0 =	vgt.f32 v12, v10;
	v15 =	vld.idx.msk [tilespmem:v23+s1+$0x0], $0xffff  }
0x88: {  	v11 =	vsel vm1, $0xA, v11;
	v10 =	vsel vm0, v12, v10  }
0x89: {  	v11 =	vsel vm2, $0xB, v11;
	vm1 =	vgt.f32 v14, v10  }
0x8a: {  	v11 =	vsel vm3, $0xC, v11;
	v10 =	vsel vm1, v14, v10  }
0x8b: {  	v11 =	vsel vm0, $0xD, v11;
	vm0 =	vgt.f32 v13, v10  }
0x8c: {  	v11 =	vsel vm1, $0xE, v11;
	v10 =	vsel vm0, v13, v10  }
0x8d: {  	v11 =	vsel vm0, $0xF, v11;
	vm0 =	vgt.f32 v15, v10  }
0x8e: {  	v10 =	vsel vm0, v15, v10;
	v11 =	vsel vm0, $0x10, v11  }
0x8f: {  	v10 =	vsub.f32 $0.0e+00, v10;
	v12 =	vor.u32 v9, v11;
	v13 =	vadd.s32 v9, v11  }
0x90: {  	v13 =	vadd.s32 $0x11, v13  }
0x91: {  	v10 =	vmul.f32 $1.442695020e+00, v10;
	_ =	sdelay $0x1  }
0x92: {  	(erf) = vpow2.f32 v10;
	_ =	sdelay $0x8  }
0x93: {  	v10 =	vpop (erf)  }
0x94: {  	v11 =	vcvt.s32.f32 v11;
	v10 =	vadd.f32 $1.000000000e+00, v10;
	v13 =	vld.idx.msk [tilespmem:v13+s13+$0x0], $0xffff  }
0x95: {  	v14 =	vor.u32 s8, v4;
	s8 =	smov.u32 s10;
	v12 =	vld.idx.msk [tilespmem:v12+s13+$0x0], $0xffff  }
0x96: {  	v14 =	vcvt.s32.f32 v14;
	[tilespmem:v9+s20+$0x0] =	vst.idx.msk $0xffff, v11;
	(erf) = vrcp.f32 v10;
	_ =	sdelay $0x1  }
0x97: {  	v9 =	vmul.f32 $4.000000000e+00, v14;
	_ =	sdelay $0x1  }
0x98: {  	v9 =	vadd.f32 v13, v9  }
0x99: {  	v10 =	vadd.f32 v12, v6  }
0x9a: {  	v11 =	vmov s8;
	v9 =	vtrunc.f32 v9  }
.Ltmp0:
0x9b: {  	v11 =	vshll.u32 v11, $0x7;
	v13 =	vcvt.f32.s32 v9;
	v10 =	vtrunc.f32 v10;
	(pc) =	sbr.rel @p0 .LBB2_3-.Ltmp0, $4  }
0x9c: {  	v9 =	vor.u32 v2, v11;
	v10 =	vcvt.f32.s32 v10  }
0x9d: {  	v15 =	vor.u32 $0x1, v9;
	v14 =	vor.u32 $0x4, v9;
	v17 =	vcvt.s32.f32 v13;
	v12 =	vpop (erf)  }
0x9e: {  	v11 =	vor.u32 $0x7, v9;
	v13 =	vor.u32 $0x6, v9;
	v16 =	vcvt.s32.f32 v10;
	[tilespmem:v8+s20+$0x0] =	vst.idx.msk $0xffff, v12;
	v8 =	vmovc v15  }
0x9f: {  	v10 =	vor.u32 $0x9, v9;
	v12 =	vor.u32 $0x8, v9;
	[tilespmem:v7+s20+$0x0] =	vst.idx.msk $0xffff, v17;
	v7 =	vor.u32 $0x2, v9  }
0xa0: {  	_ =	sdelay $0x3  }
0xa1: {  	[tilespmem:v5+s20+$0x0] =	vst.idx.msk $0xffff, v16  }
0xa2: {  	v16 =	vor.u32 $0x3, v9;
	v5 =	vld.idx.msk [tilespmem:v9+s1+$0x0], $0xffff  }
0xa3: {  	v15 =	vld.idx.msk [tilespmem:v15+s1+$0x0], $0xffff;
	_ =	sdelay $0x1  }
0xa4: {  	v17 =	vld.idx.msk [tilespmem:v7+s1+$0x0], $0xffff  }
0xa5: {  	v18 =	vor.u32 $0x5, v9  }
0xa6: {  	v19 =	vld.idx.msk [tilespmem:v16+s1+$0x0], $0xffff  }
0xa7: {  	vm0 =	vgt.f32 v15, v5  }
0xa8: {  	v14 =	vld.idx.msk [tilespmem:v14+s1+$0x0], $0xffff;
	v5 =	vsel vm0, v15, v5  }
0xa9: {  	vm1 =	vgt.f32 v17, v5  }
0xaa: {  	v15 =	vld.idx.msk [tilespmem:v18+s1+$0x0], $0xffff;
	v5 =	vsel vm1, v17, v5  }
0xab: {  	vm2 =	vgt.f32 v19, v5  }
0xac: {  	v13 =	vld.idx.msk [tilespmem:v13+s1+$0x0], $0xffff;
	v5 =	vsel vm2, v19, v5  }
0xad: {  	vm3 =	vgt.f32 v14, v5  }
0xae: {  	v11 =	vld.idx.msk [tilespmem:v11+s1+$0x0], $0xffff;
	v5 =	vsel vm3, v14, v5  }
0xaf: {  	v14 =	vor.u32 $0xA, v9;
	vm4 =	vgt.f32 v15, v5  }
0xb0: {  	v12 =	vld.idx.msk [tilespmem:v12+s1+$0x0], $0xffff;
	v5 =	vsel vm4, v15, v5  }
0xb1: {  	v15 =	vor.u32 $0xB, v9;
	vm5 =	vgt.f32 v13, v5  }
0xb2: {  	v10 =	vld.idx.msk [tilespmem:v10+s1+$0x0], $0xffff;
	v5 =	vsel vm5, v13, v5  }
0xb3: {  	v13 =	vor.u32 $0xC, v9;
	vm6 =	vgt.f32 v11, v5  }
0xb4: {  	v14 =	vld.idx.msk [tilespmem:v14+s1+$0x0], $0xffff;
	v5 =	vsel vm6, v11, v5  }
0xb5: {  	v11 =	vor.u32 $0xD, v9;
	vm7 =	vgt.f32 v12, v5  }
0xb6: {  	v15 =	vld.idx.msk [tilespmem:v15+s1+$0x0], $0xffff;
	v5 =	vsel vm7, v12, v5  }
0xb7: {  	v12 =	vor.u32 $0xE, v9;
	vm8 =	vgt.f32 v10, v5  }
0xb8: {  	v13 =	vld.idx.msk [tilespmem:v13+s1+$0x0], $0xffff;
	v5 =	vsel vm8, v10, v5  }
0xb9: {  	v10 =	vor.u32 $0xF, v9;
	vm9 =	vgt.f32 v14, v5  }
0xba: {  	v11 =	vld.idx.msk [tilespmem:v11+s1+$0x0], $0xffff;
	v5 =	vsel vm9, v14, v5  }
0xbb: {  	v14 =	vor.u32 $0x10, v9;
	vm10 =	vgt.f32 v15, v5  }
0xbc: {  	v12 =	vld.idx.msk [tilespmem:v12+s1+$0x0], $0xffff;
	v5 =	vsel vm10, v15, v5  }
0xbd: {  	vm11 =	vgt.f32 v13, v5  }
0xbe: {  	v10 =	vld.idx.msk [tilespmem:v10+s1+$0x0], $0xffff;
	v5 =	vsel vm11, v13, v5  }
0xbf: {  	vm12 =	vgt.f32 v11, v5  }
0xc0: {  	v13 =	vsel vm0, $0x1, v3;
	v14 =	vld.idx.msk [tilespmem:v14+s1+$0x0], $0xffff;
	v5 =	vsel vm12, v11, v5  }
0xc1: {  	v11 =	vsel vm1, $0x2, v13;
	vm14 =	vgt.f32 v12, v5  }
0xc2: {  	v11 =	vsel vm2, $0x3, v11;
	v5 =	vsel vm14, v12, v5  }
0xc3: {  	v11 =	vsel vm3, $0x4, v11;
	vm15 =	vgt.f32 v10, v5  }
0xc4: {  	v11 =	vsel vm4, $0x5, v11;
	v5 =	vsel vm15, v10, v5  }
0xc5: {  	v10 =	vsel vm5, $0x6, v11;
	vm5 =	vgt.f32 v14, v5  }
0xc6: {  	v10 =	vsel vm6, $0x7, v10;
	v5 =	vsel vm5, v14, v5  }
0xc7: {  	v10 =	vsel vm7, $0x8, v10;
	v5 =	vsub.f32 $0.0e+00, v5  }
0xc8: {  	v10 =	vsel vm8, $0x9, v10  }
0xc9: {  	v10 =	vsel vm9, $0xA, v10;
	v5 =	vmul.f32 $1.442695020e+00, v5  }
0xca: {  	v10 =	vsel vm10, $0xB, v10  }
0xcb: {  	v10 =	vsel vm11, $0xC, v10;
	(erf) = vpow2.f32 v5  }
0xcc: {  	v5 =	vsel vm12, $0xD, v10  }
0xcd: {  	v5 =	vsel vm14, $0xE, v5  }
0xce: {  	v5 =	vsel vm15, $0xF, v5  }
0xcf: {  	v5 =	vsel vm5, $0x10, v5  }
0xd0: {  	v10 =	vadd.s32 v9, v5  }
0xd1: {  	v10 =	vadd.s32 $0x11, v10  }
0xd2: {  	v11 =	vor.u32 v9, v5;
	_ =	sdelay $0x1  }
0xd3: {  	v12 =	vpop (erf)  }
0xd4: {  	v12 =	vadd.f32 $1.000000000e+00, v12  }
0xd5: {  	v4 =	vor.u32 s8, v4;
	v10 =	vld.idx.msk [tilespmem:v10+s13+$0x0], $0xffff  }
0xd6: {  	v4 =	vcvt.s32.f32 v4;
	v11 =	vld.idx.msk [tilespmem:v11+s13+$0x0], $0xffff;
	(erf) = vrcp.f32 v12;
	_ =	sdelay $0x1  }
0xd7: {  	v4 =	vmul.f32 $4.000000000e+00, v4;
	_ =	sdelay $0x1  }
0xd8: {  	v4 =	vadd.f32 v10, v4  }
0xd9: {  	v5 =	vcvt.s32.f32 v5;
	v6 =	vadd.f32 v11, v6  }
0xda: {  	v4 =	vtrunc.f32 v4  }
0xdb: {  	v6 =	vtrunc.f32 v6;
	v4 =	vcvt.f32.s32 v4  }
0xdc: {  	v6 =	vcvt.f32.s32 v6  }
0xdd: {  	[tilespmem:v9+s20+$0x0] =	vst.idx.msk $0xffff, v5;
	v4 =	vcvt.s32.f32 v4;
	v5 =	vpop (erf)  }
0xde: {  	s7 =	sshll.u32 s7, $0x4;
	v6 =	vcvt.s32.f32 v6;
	[tilespmem:v8+s20+$0x0] =	vst.idx.msk $0xffff, v5  }
0xdf: {  	s2 =	sshll.u32 s2, $0xD;
	s7 =	sadd.s32 s5, s7;
	[tilespmem:v7+s20+$0x0] =	vst.idx.msk $0xffff, v4  }
0xe0: {  	s8 =	simm.s32 $0x0;
	s2 =	sadd.s32 s2, s7;
	[tilespmem:v16+s20+$0x0] =	vst.idx.msk $0xffff, v6  }
0xe1: {  	[hbm4b:s2+s8] =	stream.linear.scatter [tilespmem:s20], [sflag:$0x7], $0x4000, $0x38;
	[tilespmem:$0x1C000] =	vst v63  }
0xe2: {  	s9 =	sadd.s32 $0x3, s0;
	_ =	swait.ge [sflag:s21], $0x4000  }
0xe3: {  	s10 =	sshrl.u32 s9, $0x2;
	[sflag:s21] =	ssyncset.done $0x0  }
0xe4: {  	s7 =	sadd.s32 s6, s10;
	s2 =	sshll.u32 s9, $0xB;
	[sflag:s21] =	ssyncadd.s32 $0xFFFFC000  }
0xe5: {  	s7 =	sshll.u32 s7, $0xD;
	s2 =	sand.u32 $0x1800, s2;
	_ =	swait.ge [sflag:s22], $0x4000  }
0xe6: {  	s2 =	sor.u32 s2, s7;
	[sflag:s22] =	ssyncset.done $0x0  }
0xe7: {  	v4 =	vmov s8;
	s7 =	sadd.s32 s3, s2;
	[sflag:s22] =	ssyncadd.s32 $0xFFFFC000  }
0xe8: {  	v4 =	vshll.u32 v4, $0x7;
	[tilespmem:s8], [sflag:$0x1] =	stream.linear.gather [hbm4b:s7+s8], $0x4000, $0x38;
	[tilespmem:$0x1C000] =	vst v63  }
0xe9: {  	v7 =	vor.u32 v2, v4;
	s2 =	sadd.s32 s4, s2  }
0xea: {  	v10 =	vor.u32 $0x1, v7;
	[tilespmem:s13], [sflag:$0x4] =	stream.linear.gather [hbm4b:s2+s8], $0x4000, $0x38;
	[tilespmem:$0x1C000] =	vst v63  }
0xeb: {  	_ =	swait.ge [sflag:s23], $0x4000  }
0xec: {  	v8 =	vor.u32 $0x2, v7;
	[sflag:s23] =	ssyncset.done $0x0  }
0xed: {  	[sflag:s23] =	ssyncadd.s32 $0xFFFFC000  }
0xee: {  	v4 =	vor.u32 $0x3, v7;
	v5 =	vld.idx.msk [tilespmem:v7+s14+$0x0], $0xffff  }
0xef: {  	v6 =	vld.idx.msk [tilespmem:v10+s14+$0x0], $0xffff  }
0xf0: {  	v9 =	vor.u32 $0x4, v7  }
0xf1: {  	v11 =	vld.idx.msk [tilespmem:v8+s14+$0x0], $0xffff  }
0xf2: {  	v12 =	vor.u32 $0x5, v7  }
0xf3: {  	v13 =	vld.idx.msk [tilespmem:v4+s14+$0x0], $0xffff  }
0xf4: {  	v14 =	vor.u32 $0x6, v7;
	vm0 =	vgt.f32 v6, v5  }
0xf5: {  	v9 =	vld.idx.msk [tilespmem:v9+s14+$0x0], $0xffff;
	v5 =	vsel vm0, v6, v5  }
0xf6: {  	v6 =	vor.u32 $0x7, v7;
	vm1 =	vgt.f32 v11, v5  }
0xf7: {  	v12 =	vld.idx.msk [tilespmem:v12+s14+$0x0], $0xffff;
	v5 =	vsel vm1, v11, v5  }
0xf8: {  	v11 =	vor.u32 $0x8, v7;
	vm2 =	vgt.f32 v13, v5  }
0xf9: {  	v14 =	vld.idx.msk [tilespmem:v14+s14+$0x0], $0xffff;
	v5 =	vsel vm2, v13, v5  }
0xfa: {  	v13 =	vor.u32 $0x9, v7;
	vm3 =	vgt.f32 v9, v5  }
0xfb: {  	v6 =	vld.idx.msk [tilespmem:v6+s14+$0x0], $0xffff;
	v5 =	vsel vm3, v9, v5  }
0xfc: {  	v9 =	vor.u32 $0xA, v7;
	vm4 =	vgt.f32 v12, v5  }
0xfd: {  	v11 =	vld.idx.msk [tilespmem:v11+s14+$0x0], $0xffff;
	v5 =	vsel vm4, v12, v5  }
0xfe: {  	v12 =	vor.u32 $0xB, v7;
	vm5 =	vgt.f32 v14, v5  }
0xff: {  	v13 =	vld.idx.msk [tilespmem:v13+s14+$0x0], $0xffff;
	v5 =	vsel vm5, v14, v5  }
0x100: {  	v14 =	vor.u32 $0xC, v7;
	vm6 =	vgt.f32 v6, v5  }
0x101: {  	v9 =	vld.idx.msk [tilespmem:v9+s14+$0x0], $0xffff;
	v5 =	vsel vm6, v6, v5  }
0x102: {  	v6 =	vor.u32 $0xD, v7;
	vm7 =	vgt.f32 v11, v5  }
0x103: {  	v12 =	vld.idx.msk [tilespmem:v12+s14+$0x0], $0xffff;
	v5 =	vsel vm7, v11, v5  }
0x104: {  	v11 =	vor.u32 $0xE, v7;
	vm8 =	vgt.f32 v13, v5  }
0x105: {  	v14 =	vld.idx.msk [tilespmem:v14+s14+$0x0], $0xffff;
	v5 =	vsel vm8, v13, v5  }
0x106: {  	v13 =	vor.u32 $0xF, v7;
	vm9 =	vgt.f32 v9, v5  }
0x107: {  	v6 =	vld.idx.msk [tilespmem:v6+s14+$0x0], $0xffff;
	v5 =	vsel vm9, v9, v5  }
0x108: {  	v9 =	vor.u32 $0x10, v7;
	vm10 =	vgt.f32 v12, v5  }
0x109: {  	v11 =	vld.idx.msk [tilespmem:v11+s14+$0x0], $0xffff;
	v5 =	vsel vm10, v12, v5  }
0x10a: {  	vm11 =	vgt.f32 v14, v5  }
0x10b: {  	v12 =	vld.idx.msk [tilespmem:v13+s14+$0x0], $0xffff;
	v5 =	vsel vm11, v14, v5  }
0x10c: {  	vm12 =	vgt.f32 v6, v5  }
0x10d: {  	v13 =	vsel vm0, $0x1, v3;
	v9 =	vld.idx.msk [tilespmem:v9+s14+$0x0], $0xffff;
	v5 =	vsel vm12, v6, v5  }
0x10e: {  	v6 =	vsel vm1, $0x2, v13;
	vm13 =	vgt.f32 v11, v5  }
0x10f: {  	v6 =	vsel vm2, $0x3, v6;
	v5 =	vsel vm13, v11, v5  }
0x110: {  	v6 =	vsel vm3, $0x4, v6;
	vm14 =	vgt.f32 v12, v5  }
0x111: {  	v6 =	vsel vm4, $0x5, v6;
	v5 =	vsel vm14, v12, v5  }
0x112: {  	v6 =	vsel vm5, $0x6, v6;
	vm15 =	vgt.f32 v9, v5  }
0x113: {  	v6 =	vsel vm6, $0x7, v6;
	v5 =	vsel vm15, v9, v5  }
0x114: {  	v6 =	vsel vm7, $0x8, v6;
	v5 =	vsub.f32 $0.0e+00, v5  }
0x115: {  	v6 =	vsel vm8, $0x9, v6  }
0x116: {  	v6 =	vsel vm9, $0xA, v6;
	v5 =	vmul.f32 $1.442695020e+00, v5  }
0x117: {  	v6 =	vsel vm10, $0xB, v6  }
0x118: {  	v6 =	vsel vm11, $0xC, v6;
	(erf) = vpow2.f32 v5  }
0x119: {  	v5 =	vsel vm12, $0xD, v6  }
0x11a: {  	v5 =	vsel vm13, $0xE, v5  }
0x11b: {  	v5 =	vsel vm14, $0xF, v5  }
0x11c: {  	v9 =	vsel vm15, $0x10, v5  }
0x11d: {  	v5 =	vadd.s32 v7, v9  }
0x11e: {  	v6 =	vadd.s32 $0x11, v5  }
0x11f: {  	s9 =	sadd.s32 $0x1, s0;
	v11 =	vor.u32 v7, v9  }
0x120: {  	s10 =	sshrl.u32 s9, $0x2;
	s9 =	sshll.u32 s9, $0x7  }
0x121: {  	s7 =	sand.u32 $0x180, s9;
	s2 =	sadd.s32 s6, s10;
	v12 =	vpop (erf)  }
0x122: {  	s10 =	scvt.s32.f32 s2;
	v5 =	vor.u32 s7, v0;
	v12 =	vadd.f32 $1.000000000e+00, v12  }
0x123: {  	v13 =	vld.idx.msk [tilespmem:v6+s15+$0x0], $0xffff;
	v6 =	vor.u32 s8, v5  }
0x124: {  	v14 =	vmov s10;
	v11 =	vld.idx.msk [tilespmem:v11+s15+$0x0], $0xffff;
	v6 =	vcvt.s32.f32 v6;
	(erf) = vrcp.f32 v12  }
0x125: {  	v12 =	vmul.f32 $4.000000000e+00, v14  }
0x126: {  	v14 =	vmul.f32 $4.000000000e+00, v6  }
0x127: {  	v6 =	vbroadcast v12, $0x0  }
0x128: {  	v12 =	vadd.f32 v13, v14  }
0x129: {  	s8 =	simm.s32 $0x10;
	v11 =	vadd.f32 v11, v6  }
0x12a: {  	v13 =	vcvt.s32.f32 v9;
	v9 =	vmov s8;
	v12 =	vtrunc.f32 v12  }
0x12b: {  	v9 =	vshll.u32 v9, $0x7;
	v12 =	vcvt.f32.s32 v12;
	v11 =	vtrunc.f32 v11  }
0x12c: {  	v9 =	vor.u32 v2, v9;
	v16 =	vcvt.f32.s32 v11  }
0x12d: {  	[tilespmem:v7+s20+$0x0] =	vst.idx.msk $0xffff, v13;
	v15 =	vor.u32 $0x1, v9;
	v14 =	vor.u32 $0x4, v9;
	v17 =	vcvt.s32.f32 v12;
	v7 =	vpop (erf)  }
0x12e: {  	v13 =	vor.u32 $0x6, v9;
	v11 =	vor.u32 $0x7, v9;
	v16 =	vcvt.s32.f32 v16;
	[tilespmem:v10+s20+$0x0] =	vst.idx.msk $0xffff, v7  }
0x12f: {  	s9 =	simm.s32 $0x20;
	v12 =	vor.u32 $0x8, v9;
	v7 =	vor.u32 $0x2, v9;
	v10 =	vor.u32 $0x9, v9;
	[tilespmem:v8+s20+$0x0] =	vst.idx.msk $0xffff, v17;
	v8 =	vmovc v15  }
.LBB2_5:
0x130: {  	p0 =	sne.s32 s9, $0x70;
	v17 =	vor.u32 $0xA, v9;
	v18 =	vor.u32 $0xB, v9;
	v19 =	vor.u32 $0xC, v9;
	[tilespmem:v4+s20+$0x0] =	vst.idx.msk $0xffff, v16;
	s10 =	smov.u32 s9;
	s9 =	sadd.s32 $0x10, s9  }
0x131: {  	v4 =	vor.u32 $0x3, v9;
	v20 =	vor.u32 $0xD, v9;
	v21 =	vor.u32 $0xE, v9;
	v16 =	vld.idx.msk [tilespmem:v9+s14+$0x0], $0xffff  }
0x132: {  	v22 =	vor.u32 $0xF, v9;
	v23 =	vor.u32 $0x10, v9;
	v15 =	vld.idx.msk [tilespmem:v15+s14+$0x0], $0xffff;
	_ =	sdelay $0x1  }
0x133: {  	v24 =	vld.idx.msk [tilespmem:v7+s14+$0x0], $0xffff  }
0x134: {  	v25 =	vor.u32 $0x5, v9  }
0x135: {  	v26 =	vld.idx.msk [tilespmem:v4+s14+$0x0], $0xffff;
	_ =	sdelay $0x1  }
0x136: {  	vm0 =	vgt.f32 v15, v16;
	v14 =	vld.idx.msk [tilespmem:v14+s14+$0x0], $0xffff  }
0x137: {  	v15 =	vsel vm0, v15, v16  }
0x138: {  	vm1 =	vgt.f32 v24, v15;
	v16 =	vld.idx.msk [tilespmem:v25+s14+$0x0], $0xffff  }
0x139: {  	v15 =	vsel vm1, v24, v15  }
0x13a: {  	vm2 =	vgt.f32 v26, v15;
	v13 =	vld.idx.msk [tilespmem:v13+s14+$0x0], $0xffff  }
0x13b: {  	v15 =	vsel vm2, v26, v15  }
0x13c: {  	vm3 =	vgt.f32 v14, v15;
	v11 =	vld.idx.msk [tilespmem:v11+s14+$0x0], $0xffff  }
0x13d: {  	v14 =	vsel vm3, v14, v15  }
0x13e: {  	vm4 =	vgt.f32 v16, v14;
	v12 =	vld.idx.msk [tilespmem:v12+s14+$0x0], $0xffff  }
0x13f: {  	v14 =	vsel vm4, v16, v14  }
0x140: {  	vm5 =	vgt.f32 v13, v14;
	v10 =	vld.idx.msk [tilespmem:v10+s14+$0x0], $0xffff  }
0x141: {  	v13 =	vsel vm5, v13, v14  }
0x142: {  	vm6 =	vgt.f32 v11, v13;
	v14 =	vld.idx.msk [tilespmem:v17+s14+$0x0], $0xffff  }
0x143: {  	v11 =	vsel vm6, v11, v13  }
0x144: {  	vm7 =	vgt.f32 v12, v11;
	v13 =	vld.idx.msk [tilespmem:v18+s14+$0x0], $0xffff  }
0x145: {  	v11 =	vsel vm7, v12, v11  }
0x146: {  	v12 =	vsel vm0, $0x1, v3;
	vm0 =	vgt.f32 v10, v11;
	v15 =	vld.idx.msk [tilespmem:v19+s14+$0x0], $0xffff  }
0x147: {  	v12 =	vsel vm1, $0x2, v12;
	v10 =	vsel vm0, v10, v11  }
0x148: {  	v11 =	vsel vm2, $0x3, v12;
	vm1 =	vgt.f32 v14, v10;
	v12 =	vld.idx.msk [tilespmem:v20+s14+$0x0], $0xffff  }
0x149: {  	v11 =	vsel vm3, $0x4, v11;
	v10 =	vsel vm1, v14, v10  }
0x14a: {  	v11 =	vsel vm4, $0x5, v11;
	vm2 =	vgt.f32 v13, v10;
	v14 =	vld.idx.msk [tilespmem:v21+s14+$0x0], $0xffff  }
0x14b: {  	v11 =	vsel vm5, $0x6, v11;
	v10 =	vsel vm2, v13, v10  }
0x14c: {  	v11 =	vsel vm6, $0x7, v11;
	vm3 =	vgt.f32 v15, v10;
	v13 =	vld.idx.msk [tilespmem:v22+s14+$0x0], $0xffff  }
0x14d: {  	v11 =	vsel vm7, $0x8, v11;
	v10 =	vsel vm3, v15, v10  }
0x14e: {  	v11 =	vsel vm0, $0x9, v11;
	vm0 =	vgt.f32 v12, v10;
	v15 =	vld.idx.msk [tilespmem:v23+s14+$0x0], $0xffff  }
0x14f: {  	v11 =	vsel vm1, $0xA, v11;
	v10 =	vsel vm0, v12, v10  }
0x150: {  	v11 =	vsel vm2, $0xB, v11;
	vm1 =	vgt.f32 v14, v10  }
0x151: {  	v11 =	vsel vm3, $0xC, v11;
	v10 =	vsel vm1, v14, v10  }
0x152: {  	v11 =	vsel vm0, $0xD, v11;
	vm0 =	vgt.f32 v13, v10  }
0x153: {  	v11 =	vsel vm1, $0xE, v11;
	v10 =	vsel vm0, v13, v10  }
0x154: {  	v11 =	vsel vm0, $0xF, v11;
	vm0 =	vgt.f32 v15, v10  }
0x155: {  	v10 =	vsel vm0, v15, v10;
	v11 =	vsel vm0, $0x10, v11  }
0x156: {  	v10 =	vsub.f32 $0.0e+00, v10;
	v12 =	vor.u32 v9, v11;
	v13 =	vadd.s32 v9, v11  }
0x157: {  	v13 =	vadd.s32 $0x11, v13  }
0x158: {  	v10 =	vmul.f32 $1.442695020e+00, v10;
	_ =	sdelay $0x1  }
0x159: {  	(erf) = vpow2.f32 v10;
	_ =	sdelay $0x8  }
0x15a: {  	v10 =	vpop (erf)  }
0x15b: {  	v11 =	vcvt.s32.f32 v11;
	v10 =	vadd.f32 $1.000000000e+00, v10;
	v13 =	vld.idx.msk [tilespmem:v13+s15+$0x0], $0xffff  }
0x15c: {  	v14 =	vor.u32 s8, v5;
	s8 =	smov.u32 s10;
	v12 =	vld.idx.msk [tilespmem:v12+s15+$0x0], $0xffff  }
0x15d: {  	v14 =	vcvt.s32.f32 v14;
	[tilespmem:v9+s20+$0x0] =	vst.idx.msk $0xffff, v11;
	(erf) = vrcp.f32 v10;
	_ =	sdelay $0x1  }
0x15e: {  	v9 =	vmul.f32 $4.000000000e+00, v14;
	_ =	sdelay $0x1  }
0x15f: {  	v9 =	vadd.f32 v13, v9  }
0x160: {  	v10 =	vadd.f32 v12, v6  }
0x161: {  	v11 =	vmov s8;
	v9 =	vtrunc.f32 v9  }
.Ltmp1:
0x162: {  	v11 =	vshll.u32 v11, $0x7;
	v13 =	vcvt.f32.s32 v9;
	v10 =	vtrunc.f32 v10;
	(pc) =	sbr.rel @p0 .LBB2_5-.Ltmp1, $4  }
0x163: {  	v9 =	vor.u32 v2, v11;
	v10 =	vcvt.f32.s32 v10  }
0x164: {  	v15 =	vor.u32 $0x1, v9;
	v14 =	vor.u32 $0x4, v9;
	v17 =	vcvt.s32.f32 v13;
	v12 =	vpop (erf)  }
0x165: {  	v11 =	vor.u32 $0x7, v9;
	v13 =	vor.u32 $0x6, v9;
	v16 =	vcvt.s32.f32 v10;
	[tilespmem:v8+s20+$0x0] =	vst.idx.msk $0xffff, v12;
	v8 =	vmovc v15  }
0x166: {  	v10 =	vor.u32 $0x9, v9;
	v12 =	vor.u32 $0x8, v9;
	[tilespmem:v7+s20+$0x0] =	vst.idx.msk $0xffff, v17;
	v7 =	vor.u32 $0x2, v9  }
0x167: {  	_ =	sdelay $0x3  }
0x168: {  	[tilespmem:v4+s20+$0x0] =	vst.idx.msk $0xffff, v16  }
0x169: {  	v16 =	vor.u32 $0x3, v9;
	v4 =	vld.idx.msk [tilespmem:v9+s14+$0x0], $0xffff  }
0x16a: {  	v15 =	vld.idx.msk [tilespmem:v15+s14+$0x0], $0xffff;
	_ =	sdelay $0x1  }
0x16b: {  	v17 =	vld.idx.msk [tilespmem:v7+s14+$0x0], $0xffff  }
0x16c: {  	v18 =	vor.u32 $0x5, v9  }
0x16d: {  	v19 =	vld.idx.msk [tilespmem:v16+s14+$0x0], $0xffff  }
0x16e: {  	vm0 =	vgt.f32 v15, v4  }
0x16f: {  	v14 =	vld.idx.msk [tilespmem:v14+s14+$0x0], $0xffff;
	v4 =	vsel vm0, v15, v4  }
0x170: {  	vm1 =	vgt.f32 v17, v4  }
0x171: {  	v15 =	vld.idx.msk [tilespmem:v18+s14+$0x0], $0xffff;
	v4 =	vsel vm1, v17, v4  }
0x172: {  	vm2 =	vgt.f32 v19, v4  }
0x173: {  	v13 =	vld.idx.msk [tilespmem:v13+s14+$0x0], $0xffff;
	v4 =	vsel vm2, v19, v4  }
0x174: {  	vm3 =	vgt.f32 v14, v4  }
0x175: {  	v11 =	vld.idx.msk [tilespmem:v11+s14+$0x0], $0xffff;
	v4 =	vsel vm3, v14, v4  }
0x176: {  	v14 =	vor.u32 $0xA, v9;
	vm4 =	vgt.f32 v15, v4  }
0x177: {  	v12 =	vld.idx.msk [tilespmem:v12+s14+$0x0], $0xffff;
	v4 =	vsel vm4, v15, v4  }
0x178: {  	v15 =	vor.u32 $0xB, v9;
	vm5 =	vgt.f32 v13, v4  }
0x179: {  	v10 =	vld.idx.msk [tilespmem:v10+s14+$0x0], $0xffff;
	v4 =	vsel vm5, v13, v4  }
0x17a: {  	v13 =	vor.u32 $0xC, v9;
	vm6 =	vgt.f32 v11, v4  }
0x17b: {  	v14 =	vld.idx.msk [tilespmem:v14+s14+$0x0], $0xffff;
	v4 =	vsel vm6, v11, v4  }
0x17c: {  	v11 =	vor.u32 $0xD, v9;
	vm7 =	vgt.f32 v12, v4  }
0x17d: {  	v15 =	vld.idx.msk [tilespmem:v15+s14+$0x0], $0xffff;
	v4 =	vsel vm7, v12, v4  }
0x17e: {  	v12 =	vor.u32 $0xE, v9;
	vm8 =	vgt.f32 v10, v4  }
0x17f: {  	v13 =	vld.idx.msk [tilespmem:v13+s14+$0x0], $0xffff;
	v4 =	vsel vm8, v10, v4  }
0x180: {  	v10 =	vor.u32 $0xF, v9;
	vm9 =	vgt.f32 v14, v4  }
0x181: {  	v11 =	vld.idx.msk [tilespmem:v11+s14+$0x0], $0xffff;
	v4 =	vsel vm9, v14, v4  }
0x182: {  	v14 =	vor.u32 $0x10, v9;
	vm10 =	vgt.f32 v15, v4  }
0x183: {  	v12 =	vld.idx.msk [tilespmem:v12+s14+$0x0], $0xffff;
	v4 =	vsel vm10, v15, v4  }
0x184: {  	vm11 =	vgt.f32 v13, v4  }
0x185: {  	v10 =	vld.idx.msk [tilespmem:v10+s14+$0x0], $0xffff;
	v4 =	vsel vm11, v13, v4  }
0x186: {  	v13 =	vsel vm0, $0x1, v3;
	vm12 =	vgt.f32 v11, v4  }
0x187: {  	v14 =	vld.idx.msk [tilespmem:v14+s14+$0x0], $0xffff;
	v4 =	vsel vm12, v11, v4;
	v11 =	vsel vm1, $0x2, v13  }
0x188: {  	vm14 =	vgt.f32 v12, v4;
	v11 =	vsel vm2, $0x3, v11  }
0x189: {  	v4 =	vsel vm14, v12, v4;
	v11 =	vsel vm3, $0x4, v11  }
0x18a: {  	vm15 =	vgt.f32 v10, v4;
	v11 =	vsel vm4, $0x5, v11  }
0x18b: {  	v4 =	vsel vm15, v10, v4;
	v10 =	vsel vm5, $0x6, v11  }
0x18c: {  	vm5 =	vgt.f32 v14, v4;
	v10 =	vsel vm6, $0x7, v10  }
0x18d: {  	v4 =	vsel vm5, v14, v4;
	v10 =	vsel vm7, $0x8, v10  }
0x18e: {  	v4 =	vsub.f32 $0.0e+00, v4;
	v10 =	vsel vm8, $0x9, v10  }
0x18f: {  	v10 =	vsel vm9, $0xA, v10  }
0x190: {  	v4 =	vmul.f32 $1.442695020e+00, v4;
	v10 =	vsel vm10, $0xB, v10  }
0x191: {  	v10 =	vsel vm11, $0xC, v10  }
0x192: {  	(erf) = vpow2.f32 v4;
	v4 =	vsel vm12, $0xD, v10  }
0x193: {  	v4 =	vsel vm14, $0xE, v4  }
0x194: {  	v4 =	vsel vm15, $0xF, v4  }
0x195: {  	v4 =	vsel vm5, $0x10, v4  }
0x196: {  	v10 =	vadd.s32 v9, v4  }
0x197: {  	v10 =	vadd.s32 $0x11, v10;
	_ =	sdelay $0x2  }
0x198: {  	v11 =	vor.u32 v9, v4;
	_ =	sdelay $0x1  }
0x199: {  	v5 =	vor.u32 s8, v5;
	v12 =	vpop (erf);
	v10 =	vld.idx.msk [tilespmem:v10+s15+$0x0], $0xffff  }
0x19a: {  	v5 =	vcvt.s32.f32 v5;
	v12 =	vadd.f32 $1.000000000e+00, v12;
	_ =	sdelay $0x1  }
0x19b: {  	v5 =	vmul.f32 $4.000000000e+00, v5;
	v11 =	vld.idx.msk [tilespmem:v11+s15+$0x0], $0xffff;
	(erf) = vrcp.f32 v12;
	_ =	sdelay $0x1  }
0x19c: {  	v5 =	vadd.f32 v10, v5;
	_ =	sdelay $0x1  }
0x19d: {  	v5 =	vtrunc.f32 v5  }
0x19e: {  	v6 =	vadd.f32 v11, v6;
	v5 =	vcvt.f32.s32 v5;
	_ =	sdelay $0x1  }
0x19f: {  	v4 =	vcvt.s32.f32 v4;
	v6 =	vtrunc.f32 v6  }
0x1a0: {  	v6 =	vcvt.f32.s32 v6  }
0x1a1: {  	[tilespmem:v9+s20+$0x0] =	vst.idx.msk $0xffff, v4;
	v4 =	vcvt.s32.f32 v5;
	v5 =	vpop (erf)  }
0x1a2: {  	s7 =	sshll.u32 s7, $0x4;
	v6 =	vcvt.s32.f32 v6;
	[tilespmem:v8+s20+$0x0] =	vst.idx.msk $0xffff, v5  }
0x1a3: {  	s2 =	sshll.u32 s2, $0xD;
	p0 =	seq.s32 s28, $0x14;
	s7 =	sadd.s32 s5, s7;
	[tilespmem:v7+s20+$0x0] =	vst.idx.msk $0xffff, v4  }
0x1a4: {  	s0 =	sadd.s32 @!p0 $0x4, s0;
	s2 =	sadd.s32 s2, s7;
	[tilespmem:v16+s20+$0x0] =	vst.idx.msk $0xffff, v6  }
0x1a5: {  	[hbm4b:s2+s1] =	stream.linear.scatter [tilespmem:s20], [sflag:$0x7], $0x4000, $0x38;
	[tilespmem:$0x1C000] =	vst v63  }
0x1a6: {  	s0 =	sshrl.u32 @!p0 s0, $0x2;
	s2 =	smul.u32 @!p0 $0xC000, s28;
	_ =	swait.ge [sflag:s24], $0x4000  }
0x1a7: {  	s0 =	sadd.s32 @!p0 s6, s0;
	[sflag:s24] =	ssyncset.done $0x0  }
0x1a8: {  	s0 =	sshll.u32 @!p0 s0, $0x10;
	s2 =	sand.u32 @!p0 $0xC000, s2;
	[sflag:s24] =	ssyncadd.s32 $0xFFFFC000  }
0x1a9: {  	s10 =	simm.s32 $0x0;
	s0 =	sor.u32 @!p0 s2, s0;
	_ =	swait.ge [sflag:s25], $0x4000  }
0x1aa: {  	s8 =	simm.s32 @!p0 $0x0;
	s0 =	sshrl.u32 @!p0 s0, $0x3;
	[sflag:s25] =	ssyncset.done $0x0  }
0x1ab: {  	s9 =	simm.s32 @!p0 $0x4000;
	v4 =	vmov s10;
	s7 =	sadd.s32 @!p0 s3, s0;
	[sflag:s25] =	ssyncadd.s32 $0xFFFFC000  }
0x1ac: {  	v4 =	vshll.u32 v4, $0x7;
	[tilespmem:s9], [sflag:$0x2] =	stream.linear.gather @!p0 [hbm4b:s7+s8], $0x4000, $0x38;
	[tilespmem:$0x1C000] =	vst v63  }
0x1ad: {  	v7 =	vor.u32 v2, v4;
	s0 =	sadd.s32 @!p0 s4, s0;
	s7 =	simm.s32 @!p0 $0x10000  }
0x1ae: {  	v8 =	vor.u32 $0x1, v7;
	[tilespmem:s7], [sflag:$0x5] =	stream.linear.gather @!p0 [hbm4b:s0+s8], $0x4000, $0x38;
	[tilespmem:$0x1C000] =	vst v63  }
0x1af: {  	_ =	swait.ge [sflag:s23], $0x4000  }
0x1b0: {  	v17 =	vor.u32 $0x2, v7;
	[sflag:s23] =	ssyncset.done $0x0  }
0x1b1: {  	[sflag:s23] =	ssyncadd.s32 $0xFFFFC000  }
0x1b2: {  	v5 =	vor.u32 $0x3, v7;
	v4 =	vld.idx.msk [tilespmem:v7+s18+$0x0], $0xffff  }
0x1b3: {  	v6 =	vld.idx.msk [tilespmem:v8+s18+$0x0], $0xffff  }
0x1b4: {  	v9 =	vor.u32 $0x4, v7  }
0x1b5: {  	v10 =	vld.idx.msk [tilespmem:v17+s18+$0x0], $0xffff  }
0x1b6: {  	v11 =	vor.u32 $0x5, v7  }
0x1b7: {  	v12 =	vld.idx.msk [tilespmem:v5+s18+$0x0], $0xffff  }
0x1b8: {  	v13 =	vor.u32 $0x6, v7;
	vm0 =	vgt.f32 v6, v4  }
0x1b9: {  	v9 =	vld.idx.msk [tilespmem:v9+s18+$0x0], $0xffff;
	v4 =	vsel vm0, v6, v4  }
0x1ba: {  	v6 =	vor.u32 $0x7, v7;
	vm1 =	vgt.f32 v10, v4  }
0x1bb: {  	v11 =	vld.idx.msk [tilespmem:v11+s18+$0x0], $0xffff;
	v4 =	vsel vm1, v10, v4  }
0x1bc: {  	v10 =	vor.u32 $0x8, v7;
	vm2 =	vgt.f32 v12, v4  }
0x1bd: {  	v13 =	vld.idx.msk [tilespmem:v13+s18+$0x0], $0xffff;
	v4 =	vsel vm2, v12, v4  }
0x1be: {  	v12 =	vor.u32 $0x9, v7;
	vm3 =	vgt.f32 v9, v4  }
0x1bf: {  	v6 =	vld.idx.msk [tilespmem:v6+s18+$0x0], $0xffff;
	v4 =	vsel vm3, v9, v4  }
0x1c0: {  	v9 =	vor.u32 $0xA, v7;
	vm4 =	vgt.f32 v11, v4  }
0x1c1: {  	v10 =	vld.idx.msk [tilespmem:v10+s18+$0x0], $0xffff;
	v4 =	vsel vm4, v11, v4  }
0x1c2: {  	v11 =	vor.u32 $0xB, v7;
	vm5 =	vgt.f32 v13, v4  }
0x1c3: {  	v12 =	vld.idx.msk [tilespmem:v12+s18+$0x0], $0xffff;
	v4 =	vsel vm5, v13, v4  }
0x1c4: {  	v13 =	vor.u32 $0xC, v7;
	vm6 =	vgt.f32 v6, v4  }
0x1c5: {  	v9 =	vld.idx.msk [tilespmem:v9+s18+$0x0], $0xffff;
	v4 =	vsel vm6, v6, v4  }
0x1c6: {  	v6 =	vor.u32 $0xD, v7;
	vm7 =	vgt.f32 v10, v4  }
0x1c7: {  	v11 =	vld.idx.msk [tilespmem:v11+s18+$0x0], $0xffff;
	v4 =	vsel vm7, v10, v4  }
0x1c8: {  	v10 =	vor.u32 $0xE, v7;
	vm8 =	vgt.f32 v12, v4  }
0x1c9: {  	v13 =	vld.idx.msk [tilespmem:v13+s18+$0x0], $0xffff;
	v4 =	vsel vm8, v12, v4  }
0x1ca: {  	v12 =	vor.u32 $0xF, v7;
	vm9 =	vgt.f32 v9, v4  }
0x1cb: {  	v6 =	vld.idx.msk [tilespmem:v6+s18+$0x0], $0xffff;
	v4 =	vsel vm9, v9, v4  }
0x1cc: {  	v9 =	vor.u32 $0x10, v7;
	vm10 =	vgt.f32 v11, v4  }
0x1cd: {  	v10 =	vld.idx.msk [tilespmem:v10+s18+$0x0], $0xffff;
	v4 =	vsel vm10, v11, v4  }
0x1ce: {  	vm11 =	vgt.f32 v13, v4  }
0x1cf: {  	v11 =	vld.idx.msk [tilespmem:v12+s18+$0x0], $0xffff;
	v4 =	vsel vm11, v13, v4  }
0x1d0: {  	vm12 =	vgt.f32 v6, v4  }
0x1d1: {  	v12 =	vsel vm0, $0x1, v3;
	v9 =	vld.idx.msk [tilespmem:v9+s18+$0x0], $0xffff;
	v4 =	vsel vm12, v6, v4  }
0x1d2: {  	v6 =	vsel vm1, $0x2, v12;
	vm13 =	vgt.f32 v10, v4  }
0x1d3: {  	v6 =	vsel vm2, $0x3, v6;
	v4 =	vsel vm13, v10, v4  }
0x1d4: {  	v6 =	vsel vm3, $0x4, v6;
	vm14 =	vgt.f32 v11, v4  }
0x1d5: {  	v6 =	vsel vm4, $0x5, v6;
	v4 =	vsel vm14, v11, v4  }
0x1d6: {  	v6 =	vsel vm5, $0x6, v6;
	vm15 =	vgt.f32 v9, v4  }
0x1d7: {  	v6 =	vsel vm6, $0x7, v6;
	v4 =	vsel vm15, v9, v4  }
0x1d8: {  	v6 =	vsel vm7, $0x8, v6;
	v4 =	vsub.f32 $0.0e+00, v4  }
0x1d9: {  	v6 =	vsel vm8, $0x9, v6  }
0x1da: {  	v6 =	vsel vm9, $0xA, v6;
	v4 =	vmul.f32 $1.442695020e+00, v4  }
0x1db: {  	v6 =	vsel vm10, $0xB, v6  }
0x1dc: {  	v6 =	vsel vm11, $0xC, v6;
	(erf) = vpow2.f32 v4  }
0x1dd: {  	v4 =	vsel vm12, $0xD, v6  }
0x1de: {  	v4 =	vsel vm13, $0xE, v4  }
0x1df: {  	v4 =	vsel vm14, $0xF, v4  }
0x1e0: {  	v9 =	vsel vm15, $0x10, v4  }
0x1e1: {  	v4 =	vadd.s32 v7, v9  }
0x1e2: {  	v6 =	vadd.s32 $0x11, v4  }
0x1e3: {  	v10 =	vor.u32 v7, v9  }
0x1e4: {  	s30 =	sshll.u32 s30, $0x7  }
0x1e5: {  	s0 =	sand.u32 $0x180, s30;
	v11 =	vpop (erf)  }
0x1e6: {  	s31 =	scvt.s32.f32 s31;
	v4 =	vor.u32 s0, v0;
	v11 =	vadd.f32 $1.000000000e+00, v11  }
0x1e7: {  	v12 =	vld.idx.msk [tilespmem:v6+s19+$0x0], $0xffff;
	v6 =	vor.u32 s10, v4  }
0x1e8: {  	v13 =	vmov s31;
	v10 =	vld.idx.msk [tilespmem:v10+s19+$0x0], $0xffff;
	v6 =	vcvt.s32.f32 v6;
	(erf) = vrcp.f32 v11  }
0x1e9: {  	v11 =	vmul.f32 $4.000000000e+00, v13  }
0x1ea: {  	v13 =	vmul.f32 $4.000000000e+00, v6  }
0x1eb: {  	v6 =	vbroadcast v11, $0x0  }
0x1ec: {  	v11 =	vadd.f32 v12, v13  }
0x1ed: {  	s2 =	simm.s32 $0x10;
	v10 =	vadd.f32 v10, v6  }
0x1ee: {  	v12 =	vcvt.s32.f32 v9;
	v9 =	vmov s2;
	v11 =	vtrunc.f32 v11  }
0x1ef: {  	v9 =	vshll.u32 v9, $0x7;
	v11 =	vcvt.f32.s32 v11;
	v10 =	vtrunc.f32 v10  }
0x1f0: {  	v9 =	vor.u32 v2, v9;
	v10 =	vcvt.f32.s32 v10  }
0x1f1: {  	[tilespmem:v7+s20+$0x0] =	vst.idx.msk $0xffff, v12;
	v15 =	vor.u32 $0x1, v9;
	v14 =	vor.u32 $0x4, v9;
	v18 =	vcvt.s32.f32 v11;
	v7 =	vpop (erf)  }
0x1f2: {  	v13 =	vor.u32 $0x6, v9;
	v12 =	vor.u32 $0x8, v9;
	v16 =	vcvt.s32.f32 v10;
	[tilespmem:v8+s20+$0x0] =	vst.idx.msk $0xffff, v7  }
0x1f3: {  	s7 =	simm.s32 $0x20;
	v11 =	vor.u32 $0x7, v9;
	v10 =	vor.u32 $0x9, v9;
	v7 =	vor.u32 $0x2, v9;
	v8 =	vmovc v15;
	[tilespmem:v17+s20+$0x0] =	vst.idx.msk $0xffff, v18  }
.LBB2_7:
0x1f4: {  	p0 =	sne.s32 s7, $0x70;
	v17 =	vor.u32 $0xA, v9;
	v18 =	vor.u32 $0xB, v9;
	v19 =	vor.u32 $0xC, v9;
	[tilespmem:v5+s20+$0x0] =	vst.idx.msk $0xffff, v16;
	s8 =	smov.u32 s7;
	s7 =	sadd.s32 $0x10, s7  }
0x1f5: {  	v5 =	vor.u32 $0x3, v9;
	v20 =	vor.u32 $0xD, v9;
	v21 =	vor.u32 $0xE, v9;
	v16 =	vld.idx.msk [tilespmem:v9+s18+$0x0], $0xffff  }
0x1f6: {  	v22 =	vor.u32 $0xF, v9;
	v23 =	vor.u32 $0x10, v9;
	v15 =	vld.idx.msk [tilespmem:v15+s18+$0x0], $0xffff;
	_ =	sdelay $0x1  }
0x1f7: {  	v24 =	vld.idx.msk [tilespmem:v7+s18+$0x0], $0xffff  }
0x1f8: {  	v25 =	vor.u32 $0x5, v9  }
0x1f9: {  	v26 =	vld.idx.msk [tilespmem:v5+s18+$0x0], $0xffff;
	_ =	sdelay $0x1  }
0x1fa: {  	vm0 =	vgt.f32 v15, v16;
	v14 =	vld.idx.msk [tilespmem:v14+s18+$0x0], $0xffff  }
0x1fb: {  	v15 =	vsel vm0, v15, v16  }
0x1fc: {  	vm1 =	vgt.f32 v24, v15;
	v16 =	vld.idx.msk [tilespmem:v25+s18+$0x0], $0xffff  }
0x1fd: {  	v15 =	vsel vm1, v24, v15  }
0x1fe: {  	vm2 =	vgt.f32 v26, v15;
	v13 =	vld.idx.msk [tilespmem:v13+s18+$0x0], $0xffff  }
0x1ff: {  	v15 =	vsel vm2, v26, v15  }
0x200: {  	vm3 =	vgt.f32 v14, v15;
	v11 =	vld.idx.msk [tilespmem:v11+s18+$0x0], $0xffff  }
0x201: {  	v14 =	vsel vm3, v14, v15  }
0x202: {  	vm4 =	vgt.f32 v16, v14;
	v12 =	vld.idx.msk [tilespmem:v12+s18+$0x0], $0xffff  }
0x203: {  	v14 =	vsel vm4, v16, v14  }
0x204: {  	vm5 =	vgt.f32 v13, v14;
	v10 =	vld.idx.msk [tilespmem:v10+s18+$0x0], $0xffff  }
0x205: {  	v13 =	vsel vm5, v13, v14  }
0x206: {  	vm6 =	vgt.f32 v11, v13;
	v14 =	vld.idx.msk [tilespmem:v17+s18+$0x0], $0xffff  }
0x207: {  	v11 =	vsel vm6, v11, v13  }
0x208: {  	vm7 =	vgt.f32 v12, v11;
	v13 =	vld.idx.msk [tilespmem:v18+s18+$0x0], $0xffff  }
0x209: {  	v11 =	vsel vm7, v12, v11  }
0x20a: {  	v12 =	vsel vm0, $0x1, v3;
	vm0 =	vgt.f32 v10, v11;
	v15 =	vld.idx.msk [tilespmem:v19+s18+$0x0], $0xffff  }
0x20b: {  	v12 =	vsel vm1, $0x2, v12;
	v10 =	vsel vm0, v10, v11  }
0x20c: {  	v11 =	vsel vm2, $0x3, v12;
	vm1 =	vgt.f32 v14, v10;
	v12 =	vld.idx.msk [tilespmem:v20+s18+$0x0], $0xffff  }
0x20d: {  	v11 =	vsel vm3, $0x4, v11;
	v10 =	vsel vm1, v14, v10  }
0x20e: {  	v11 =	vsel vm4, $0x5, v11;
	vm2 =	vgt.f32 v13, v10;
	v14 =	vld.idx.msk [tilespmem:v21+s18+$0x0], $0xffff  }
0x20f: {  	v11 =	vsel vm5, $0x6, v11;
	v10 =	vsel vm2, v13, v10  }
0x210: {  	v11 =	vsel vm6, $0x7, v11;
	vm3 =	vgt.f32 v15, v10;
	v13 =	vld.idx.msk [tilespmem:v22+s18+$0x0], $0xffff  }
0x211: {  	v11 =	vsel vm7, $0x8, v11;
	v10 =	vsel vm3, v15, v10  }
0x212: {  	v11 =	vsel vm0, $0x9, v11;
	vm0 =	vgt.f32 v12, v10;
	v15 =	vld.idx.msk [tilespmem:v23+s18+$0x0], $0xffff  }
0x213: {  	v11 =	vsel vm1, $0xA, v11;
	v10 =	vsel vm0, v12, v10  }
0x214: {  	v11 =	vsel vm2, $0xB, v11;
	vm1 =	vgt.f32 v14, v10  }
0x215: {  	v11 =	vsel vm3, $0xC, v11;
	v10 =	vsel vm1, v14, v10  }
0x216: {  	v11 =	vsel vm0, $0xD, v11;
	vm0 =	vgt.f32 v13, v10  }
0x217: {  	v11 =	vsel vm1, $0xE, v11;
	v10 =	vsel vm0, v13, v10  }
0x218: {  	v11 =	vsel vm0, $0xF, v11;
	vm0 =	vgt.f32 v15, v10  }
0x219: {  	v10 =	vsel vm0, v15, v10;
	v11 =	vsel vm0, $0x10, v11  }
0x21a: {  	v10 =	vsub.f32 $0.0e+00, v10;
	v12 =	vor.u32 v9, v11;
	v13 =	vadd.s32 v9, v11  }
0x21b: {  	v13 =	vadd.s32 $0x11, v13  }
0x21c: {  	v10 =	vmul.f32 $1.442695020e+00, v10;
	_ =	sdelay $0x1  }
0x21d: {  	(erf) = vpow2.f32 v10;
	_ =	sdelay $0x8  }
0x21e: {  	v10 =	vpop (erf)  }
0x21f: {  	v11 =	vcvt.s32.f32 v11;
	v10 =	vadd.f32 $1.000000000e+00, v10;
	v13 =	vld.idx.msk [tilespmem:v13+s19+$0x0], $0xffff  }
0x220: {  	v14 =	vor.u32 s2, v4;
	s2 =	smov.u32 s8;
	v12 =	vld.idx.msk [tilespmem:v12+s19+$0x0], $0xffff  }
0x221: {  	v14 =	vcvt.s32.f32 v14;
	[tilespmem:v9+s20+$0x0] =	vst.idx.msk $0xffff, v11;
	(erf) = vrcp.f32 v10;
	_ =	sdelay $0x1  }
0x222: {  	v9 =	vmul.f32 $4.000000000e+00, v14;
	_ =	sdelay $0x1  }
0x223: {  	v9 =	vadd.f32 v13, v9  }
0x224: {  	v10 =	vadd.f32 v12, v6  }
0x225: {  	v11 =	vmov s2;
	v9 =	vtrunc.f32 v9  }
.Ltmp2:
0x226: {  	v11 =	vshll.u32 v11, $0x7;
	v13 =	vcvt.f32.s32 v9;
	v10 =	vtrunc.f32 v10;
	(pc) =	sbr.rel @p0 .LBB2_7-.Ltmp2, $4  }
0x227: {  	v9 =	vor.u32 v2, v11;
	v10 =	vcvt.f32.s32 v10  }
0x228: {  	v15 =	vor.u32 $0x1, v9;
	v14 =	vor.u32 $0x4, v9;
	v17 =	vcvt.s32.f32 v13;
	v12 =	vpop (erf)  }
0x229: {  	v11 =	vor.u32 $0x7, v9;
	v13 =	vor.u32 $0x6, v9;
	v16 =	vcvt.s32.f32 v10;
	[tilespmem:v8+s20+$0x0] =	vst.idx.msk $0xffff, v12;
	v8 =	vmovc v15  }
0x22a: {  	v10 =	vor.u32 $0x9, v9;
	v12 =	vor.u32 $0x8, v9;
	[tilespmem:v7+s20+$0x0] =	vst.idx.msk $0xffff, v17;
	v7 =	vor.u32 $0x2, v9  }
0x22b: {  	_ =	sdelay $0x3  }
0x22c: {  	[tilespmem:v5+s20+$0x0] =	vst.idx.msk $0xffff, v16  }
0x22d: {  	v49 =	vor.u32 $0x3, v9;
	v5 =	vld.idx.msk [tilespmem:v9+s18+$0x0], $0xffff  }
0x22e: {  	v15 =	vld.idx.msk [tilespmem:v15+s18+$0x0], $0xffff;
	_ =	sdelay $0x1  }
0x22f: {  	v17 =	vld.idx.msk [tilespmem:v7+s18+$0x0], $0xffff  }
0x230: {  	v18 =	vor.u32 $0x5, v9  }
0x231: {  	v19 =	vld.idx.msk [tilespmem:v49+s18+$0x0], $0xffff  }
0x232: {  	vm0 =	vgt.f32 v15, v5  }
0x233: {  	v14 =	vld.idx.msk [tilespmem:v14+s18+$0x0], $0xffff;
	v5 =	vsel vm0, v15, v5  }
0x234: {  	vm1 =	vgt.f32 v17, v5  }
0x235: {  	v50 =	vld.idx.msk [tilespmem:v18+s18+$0x0], $0xffff;
	v5 =	vsel vm1, v17, v5  }
0x236: {  	vm2 =	vgt.f32 v19, v5  }
0x237: {  	v13 =	vld.idx.msk [tilespmem:v13+s18+$0x0], $0xffff;
	v5 =	vsel vm2, v19, v5  }
0x238: {  	vm3 =	vgt.f32 v14, v5  }
0x239: {  	v11 =	vld.idx.msk [tilespmem:v11+s18+$0x0], $0xffff;
	v5 =	vsel vm3, v14, v5  }
0x23a: {  	v51 =	vor.u32 $0xA, v9;
	vm4 =	vgt.f32 v50, v5  }
0x23b: {  	v12 =	vld.idx.msk [tilespmem:v12+s18+$0x0], $0xffff;
	v5 =	vsel vm4, v50, v5  }
0x23c: {  	v52 =	vor.u32 $0xB, v9;
	vm5 =	vgt.f32 v13, v5  }
0x23d: {  	v10 =	vld.idx.msk [tilespmem:v10+s18+$0x0], $0xffff;
	v5 =	vsel vm5, v13, v5  }
0x23e: {  	v53 =	vor.u32 $0xC, v9;
	vm6 =	vgt.f32 v11, v5  }
0x23f: {  	v14 =	vld.idx.msk [tilespmem:v51+s18+$0x0], $0xffff;
	v5 =	vsel vm6, v11, v5  }
0x240: {  	v54 =	vor.u32 $0xD, v9;
	vm7 =	vgt.f32 v12, v5  }
0x241: {  	v15 =	vld.idx.msk [tilespmem:v52+s18+$0x0], $0xffff;
	v5 =	vsel vm7, v12, v5  }
0x242: {  	v55 =	vor.u32 $0xE, v9;
	vm8 =	vgt.f32 v10, v5  }
0x243: {  	v13 =	vld.idx.msk [tilespmem:v53+s18+$0x0], $0xffff;
	v5 =	vsel vm8, v10, v5  }
0x244: {  	v56 =	vor.u32 $0xF, v9;
	vm9 =	vgt.f32 v14, v5  }
0x245: {  	v11 =	vld.idx.msk [tilespmem:v54+s18+$0x0], $0xffff;
	v5 =	vsel vm9, v14, v5  }
0x246: {  	v57 =	vor.u32 $0x10, v9;
	vm10 =	vgt.f32 v15, v5  }
0x247: {  	v12 =	vld.idx.msk [tilespmem:v55+s18+$0x0], $0xffff;
	v5 =	vsel vm10, v15, v5  }
0x248: {  	vm11 =	vgt.f32 v13, v5  }
0x249: {  	v10 =	vld.idx.msk [tilespmem:v56+s18+$0x0], $0xffff;
	v5 =	vsel vm11, v13, v5  }
0x24a: {  	vm12 =	vgt.f32 v11, v5  }
0x24b: {  	v58 =	vsel vm0, $0x1, v3;
	v14 =	vld.idx.msk [tilespmem:v57+s18+$0x0], $0xffff;
	v5 =	vsel vm12, v11, v5  }
0x24c: {  	v59 =	vsel vm1, $0x2, v58;
	vm13 =	vgt.f32 v12, v5  }
0x24d: {  	v11 =	vsel vm2, $0x3, v59;
	v5 =	vsel vm13, v12, v5  }
0x24e: {  	v11 =	vsel vm3, $0x4, v11;
	vm14 =	vgt.f32 v10, v5  }
0x24f: {  	v11 =	vsel vm4, $0x5, v11;
	v5 =	vsel vm14, v10, v5  }
0x250: {  	v60 =	vsel vm5, $0x6, v11;
	vm15 =	vgt.f32 v14, v5  }
0x251: {  	v10 =	vsel vm6, $0x7, v60;
	v5 =	vsel vm15, v14, v5  }
0x252: {  	v10 =	vsel vm7, $0x8, v10;
	v5 =	vsub.f32 $0.0e+00, v5  }
0x253: {  	v10 =	vsel vm8, $0x9, v10  }
0x254: {  	v10 =	vsel vm9, $0xA, v10;
	v5 =	vmul.f32 $1.442695020e+00, v5  }
0x255: {  	v10 =	vsel vm10, $0xB, v10  }
0x256: {  	v10 =	vsel vm11, $0xC, v10;
	(erf) = vpow2.f32 v5  }
0x257: {  	v5 =	vsel vm12, $0xD, v10  }
0x258: {  	v5 =	vsel vm13, $0xE, v5  }
0x259: {  	v5 =	vsel vm14, $0xF, v5  }
0x25a: {  	v5 =	vsel vm15, $0x10, v5  }
0x25b: {  	v61 =	vadd.s32 v9, v5  }
0x25c: {  	v10 =	vadd.s32 $0x11, v61  }
0x25d: {  	v62 =	vor.u32 v9, v5;
	_ =	sdelay $0x1  }
0x25e: {  	v63 =	vpop (erf)  }
0x25f: {  	v12 =	vadd.f32 $1.000000000e+00, v63  }
0x260: {  	v4 =	vor.u32 s2, v4;
	v10 =	vld.idx.msk [tilespmem:v10+s19+$0x0], $0xffff  }
0x261: {  	v4 =	vcvt.s32.f32 v4;
	v11 =	vld.idx.msk [tilespmem:v62+s19+$0x0], $0xffff;
	(erf) = vrcp.f32 v12;
	_ =	sdelay $0x1  }
0x262: {  	v4 =	vmul.f32 $4.000000000e+00, v4;
	_ =	sdelay $0x1  }
0x263: {  	v4 =	vadd.f32 v10, v4  }
0x264: {  	v5 =	vcvt.s32.f32 v5;
	v6 =	vadd.f32 v11, v6  }
0x265: {  	v4 =	vtrunc.f32 v4  }
0x266: {  	s28 =	sadd.s32 $0x1, s28;
	v6 =	vtrunc.f32 v6;
	v4 =	vcvt.f32.s32 v4  }
0x267: {  	p0 =	sne.s32 s28, $0x15;
	v6 =	vcvt.f32.s32 v6  }
.Ltmp3:
0x268: {  	[tilespmem:v9+s20+$0x0] =	vst.idx.msk $0xffff, v5;
	v4 =	vcvt.s32.f32 v4;
	v5 =	vpop (erf);
	(pc) =	sbr.rel @p0 .LBB2_2-.Ltmp3, $4  }
0x269: {  	s0 =	sshll.u32 s0, $0x4;
	v6 =	vcvt.s32.f32 v6;
	[tilespmem:v8+s20+$0x0] =	vst.idx.msk $0xffff, v5  }
0x26a: {  	s0 =	sadd.s32 s5, s0;
	[tilespmem:v7+s20+$0x0] =	vst.idx.msk $0xffff, v4  }
0x26b: {  	s0 =	sadd.s32 s29, s0;
	[tilespmem:v49+s20+$0x0] =	vst.idx.msk $0xffff, v6  }
0x26c: {  	[hbm4b:s0+s1] =	stream.linear.scatter [tilespmem:s20], [sflag:$0x7], $0x4000, $0x38;
	[tilespmem:$0x1C000] =	vst v63  }
0x26d: {  	_ =	swait.ge [sflag:s16], $0x4000  }
0x26e: {  	s0 =	simm.s32 $0x0;
	[sflag:s16] =	ssyncset.done $0x0  }
0x26f: {  	v4 =	vmov s0;
	[sflag:s16] =	ssyncadd.s32 $0xFFFFC000  }
0x270: {  	v4 =	vshll.u32 v4, $0x7;
	_ =	swait.ge [sflag:s17], $0x4000  }
0x271: {  	v6 =	vor.u32 v2, v4;
	[sflag:s17] =	ssyncset.done $0x0  }
0x272: {  	v7 =	vor.u32 $0x1, v6;
	[sflag:s17] =	ssyncadd.s32 $0xFFFFC000  }
0x273: {  	_ =	swait.ge [sflag:s23], $0x4000  }
0x274: {  	v16 =	vor.u32 $0x2, v6;
	[sflag:s23] =	ssyncset.done $0x0  }
0x275: {  	[sflag:s23] =	ssyncadd.s32 $0xFFFFC000  }
0x276: {  	v5 =	vor.u32 $0x3, v6;
	v4 =	vld.idx.msk [tilespmem:v6+s1+$0x0], $0xffff  }
0x277: {  	v8 =	vld.idx.msk [tilespmem:v7+s1+$0x0], $0xffff  }
0x278: {  	v9 =	vor.u32 $0x4, v6  }
0x279: {  	v10 =	vld.idx.msk [tilespmem:v16+s1+$0x0], $0xffff  }
0x27a: {  	v11 =	vor.u32 $0x5, v6  }
0x27b: {  	v12 =	vld.idx.msk [tilespmem:v5+s1+$0x0], $0xffff  }
0x27c: {  	v13 =	vor.u32 $0x6, v6;
	vm0 =	vgt.f32 v8, v4  }
0x27d: {  	v9 =	vld.idx.msk [tilespmem:v9+s1+$0x0], $0xffff;
	v4 =	vsel vm0, v8, v4  }
0x27e: {  	v8 =	vor.u32 $0x7, v6;
	vm1 =	vgt.f32 v10, v4  }
0x27f: {  	v11 =	vld.idx.msk [tilespmem:v11+s1+$0x0], $0xffff;
	v4 =	vsel vm1, v10, v4  }
0x280: {  	v10 =	vor.u32 $0x8, v6;
	vm2 =	vgt.f32 v12, v4  }
0x281: {  	v13 =	vld.idx.msk [tilespmem:v13+s1+$0x0], $0xffff;
	v4 =	vsel vm2, v12, v4  }
0x282: {  	v12 =	vor.u32 $0x9, v6;
	vm3 =	vgt.f32 v9, v4  }
0x283: {  	v8 =	vld.idx.msk [tilespmem:v8+s1+$0x0], $0xffff;
	v4 =	vsel vm3, v9, v4  }
0x284: {  	v9 =	vor.u32 $0xA, v6;
	vm4 =	vgt.f32 v11, v4  }
0x285: {  	v10 =	vld.idx.msk [tilespmem:v10+s1+$0x0], $0xffff;
	v4 =	vsel vm4, v11, v4  }
0x286: {  	v11 =	vor.u32 $0xB, v6;
	vm5 =	vgt.f32 v13, v4  }
0x287: {  	v12 =	vld.idx.msk [tilespmem:v12+s1+$0x0], $0xffff;
	v4 =	vsel vm5, v13, v4  }
0x288: {  	v13 =	vor.u32 $0xC, v6;
	vm6 =	vgt.f32 v8, v4  }
0x289: {  	v9 =	vld.idx.msk [tilespmem:v9+s1+$0x0], $0xffff;
	v4 =	vsel vm6, v8, v4  }
0x28a: {  	v8 =	vor.u32 $0xD, v6;
	vm7 =	vgt.f32 v10, v4  }
0x28b: {  	v11 =	vld.idx.msk [tilespmem:v11+s1+$0x0], $0xffff;
	v4 =	vsel vm7, v10, v4  }
0x28c: {  	v10 =	vor.u32 $0xE, v6;
	vm8 =	vgt.f32 v12, v4  }
0x28d: {  	v13 =	vld.idx.msk [tilespmem:v13+s1+$0x0], $0xffff;
	v4 =	vsel vm8, v12, v4  }
0x28e: {  	v12 =	vor.u32 $0xF, v6;
	vm9 =	vgt.f32 v9, v4  }
0x28f: {  	v8 =	vld.idx.msk [tilespmem:v8+s1+$0x0], $0xffff;
	v4 =	vsel vm9, v9, v4  }
0x290: {  	v9 =	vor.u32 $0x10, v6;
	vm10 =	vgt.f32 v11, v4  }
0x291: {  	v10 =	vld.idx.msk [tilespmem:v10+s1+$0x0], $0xffff;
	v4 =	vsel vm10, v11, v4  }
0x292: {  	vm11 =	vgt.f32 v13, v4  }
0x293: {  	v11 =	vld.idx.msk [tilespmem:v12+s1+$0x0], $0xffff;
	v4 =	vsel vm11, v13, v4  }
0x294: {  	vm12 =	vgt.f32 v8, v4  }
0x295: {  	v12 =	vsel vm0, $0x1, v3;
	v9 =	vld.idx.msk [tilespmem:v9+s1+$0x0], $0xffff;
	v4 =	vsel vm12, v8, v4  }
0x296: {  	v8 =	vsel vm1, $0x2, v12;
	vm13 =	vgt.f32 v10, v4  }
0x297: {  	v8 =	vsel vm2, $0x3, v8;
	v4 =	vsel vm13, v10, v4  }
0x298: {  	v8 =	vsel vm3, $0x4, v8;
	vm14 =	vgt.f32 v11, v4  }
0x299: {  	v8 =	vsel vm4, $0x5, v8;
	v4 =	vsel vm14, v11, v4  }
0x29a: {  	v8 =	vsel vm5, $0x6, v8;
	vm15 =	vgt.f32 v9, v4  }
0x29b: {  	v8 =	vsel vm6, $0x7, v8;
	v4 =	vsel vm15, v9, v4  }
0x29c: {  	v8 =	vsel vm7, $0x8, v8;
	v4 =	vsub.f32 $0.0e+00, v4  }
0x29d: {  	v8 =	vsel vm8, $0x9, v8  }
0x29e: {  	v8 =	vsel vm9, $0xA, v8;
	v4 =	vmul.f32 $1.442695020e+00, v4  }
0x29f: {  	v8 =	vsel vm10, $0xB, v8  }
0x2a0: {  	v8 =	vsel vm11, $0xC, v8;
	(erf) = vpow2.f32 v4  }
0x2a1: {  	v4 =	vsel vm12, $0xD, v8  }
0x2a2: {  	v4 =	vsel vm13, $0xE, v4  }
0x2a3: {  	v4 =	vsel vm14, $0xF, v4  }
0x2a4: {  	v8 =	vsel vm15, $0x10, v4  }
0x2a5: {  	v4 =	vadd.s32 v6, v8  }
0x2a6: {  	v9 =	vadd.s32 $0x11, v4  }
0x2a7: {  	v10 =	vor.u32 v6, v8;
	_ =	sdelay $0x1  }
0x2a8: {  	v4 =	vpop (erf)  }
0x2a9: {  	v11 =	vadd.f32 $1.000000000e+00, v4;
	v4 =	vor.u32 $0x180, v0  }
0x2aa: {  	v9 =	vld.idx.msk [tilespmem:v9+s13+$0x0], $0xffff;
	v12 =	vor.u32 s0, v4  }
0x2ab: {  	v10 =	vld.idx.msk [tilespmem:v10+s13+$0x0], $0xffff;
	v12 =	vcvt.s32.f32 v12;
	(erf) = vrcp.f32 v11;
	_ =	sdelay $0x1  }
0x2ac: {  	v11 =	vmul.f32 $4.000000000e+00, v12;
	_ =	sdelay $0x1  }
0x2ad: {  	v9 =	vadd.f32 v9, v11  }
0x2ae: {  	s0 =	simm.s32 $0x10;
	v10 =	vadd.f32 v10, v1  }
0x2af: {  	v11 =	vcvt.s32.f32 v8;
	v8 =	vmov s0;
	v9 =	vtrunc.f32 v9  }
0x2b0: {  	v10 =	vtrunc.f32 v10;
	v8 =	vshll.u32 v8, $0x7;
	v9 =	vcvt.f32.s32 v9  }
0x2b1: {  	v15 =	vcvt.f32.s32 v10;
	v8 =	vor.u32 v2, v8  }
0x2b2: {  	[tilespmem:v6+s20+$0x0] =	vst.idx.msk $0xffff, v11;
	v14 =	vor.u32 $0x1, v8;
	v13 =	vor.u32 $0x4, v8;
	v17 =	vcvt.s32.f32 v9;
	v6 =	vpop (erf)  }
0x2b3: {  	v12 =	vor.u32 $0x6, v8;
	v10 =	vor.u32 $0x7, v8;
	v15 =	vcvt.s32.f32 v15;
	[tilespmem:v7+s20+$0x0] =	vst.idx.msk $0xffff, v6  }
0x2b4: {  	s2 =	simm.s32 $0x20;
	v11 =	vor.u32 $0x8, v8;
	v9 =	vor.u32 $0x9, v8;
	v6 =	vor.u32 $0x2, v8;
	v7 =	vmovc v14;
	[tilespmem:v16+s20+$0x0] =	vst.idx.msk $0xffff, v17  }
.LBB2_10:
0x2b5: {  	p0 =	sne.s32 s2, $0x70;
	v16 =	vor.u32 $0xA, v8;
	v17 =	vor.u32 $0xB, v8;
	v18 =	vor.u32 $0xC, v8;
	[tilespmem:v5+s20+$0x0] =	vst.idx.msk $0xffff, v15;
	s7 =	smov.u32 s2;
	s2 =	sadd.s32 $0x10, s2  }
0x2b6: {  	v5 =	vor.u32 $0x3, v8;
	v19 =	vor.u32 $0xD, v8;
	v20 =	vor.u32 $0xE, v8;
	v15 =	vld.idx.msk [tilespmem:v8+s1+$0x0], $0xffff  }
0x2b7: {  	v21 =	vor.u32 $0xF, v8;
	v22 =	vor.u32 $0x10, v8;
	v14 =	vld.idx.msk [tilespmem:v14+s1+$0x0], $0xffff;
	_ =	sdelay $0x1  }
0x2b8: {  	v23 =	vld.idx.msk [tilespmem:v6+s1+$0x0], $0xffff  }
0x2b9: {  	v24 =	vor.u32 $0x5, v8  }
0x2ba: {  	v25 =	vld.idx.msk [tilespmem:v5+s1+$0x0], $0xffff;
	_ =	sdelay $0x1  }
0x2bb: {  	vm0 =	vgt.f32 v14, v15;
	v13 =	vld.idx.msk [tilespmem:v13+s1+$0x0], $0xffff  }
0x2bc: {  	v14 =	vsel vm0, v14, v15  }
0x2bd: {  	vm1 =	vgt.f32 v23, v14;
	v15 =	vld.idx.msk [tilespmem:v24+s1+$0x0], $0xffff  }
0x2be: {  	v14 =	vsel vm1, v23, v14  }
0x2bf: {  	vm2 =	vgt.f32 v25, v14;
	v12 =	vld.idx.msk [tilespmem:v12+s1+$0x0], $0xffff  }
0x2c0: {  	v14 =	vsel vm2, v25, v14  }
0x2c1: {  	vm3 =	vgt.f32 v13, v14;
	v10 =	vld.idx.msk [tilespmem:v10+s1+$0x0], $0xffff  }
0x2c2: {  	v13 =	vsel vm3, v13, v14  }
0x2c3: {  	vm4 =	vgt.f32 v15, v13;
	v11 =	vld.idx.msk [tilespmem:v11+s1+$0x0], $0xffff  }
0x2c4: {  	v13 =	vsel vm4, v15, v13  }
0x2c5: {  	vm5 =	vgt.f32 v12, v13;
	v9 =	vld.idx.msk [tilespmem:v9+s1+$0x0], $0xffff  }
0x2c6: {  	v12 =	vsel vm5, v12, v13  }
0x2c7: {  	vm6 =	vgt.f32 v10, v12;
	v13 =	vld.idx.msk [tilespmem:v16+s1+$0x0], $0xffff  }
0x2c8: {  	v10 =	vsel vm6, v10, v12  }
0x2c9: {  	vm7 =	vgt.f32 v11, v10;
	v12 =	vld.idx.msk [tilespmem:v17+s1+$0x0], $0xffff  }
0x2ca: {  	v10 =	vsel vm7, v11, v10  }
0x2cb: {  	v11 =	vsel vm0, $0x1, v3;
	vm0 =	vgt.f32 v9, v10;
	v14 =	vld.idx.msk [tilespmem:v18+s1+$0x0], $0xffff  }
0x2cc: {  	v11 =	vsel vm1, $0x2, v11;
	v9 =	vsel vm0, v9, v10  }
0x2cd: {  	v10 =	vsel vm2, $0x3, v11;
	vm1 =	vgt.f32 v13, v9;
	v11 =	vld.idx.msk [tilespmem:v19+s1+$0x0], $0xffff  }
0x2ce: {  	v10 =	vsel vm3, $0x4, v10;
	v9 =	vsel vm1, v13, v9  }
0x2cf: {  	v10 =	vsel vm4, $0x5, v10;
	vm2 =	vgt.f32 v12, v9;
	v13 =	vld.idx.msk [tilespmem:v20+s1+$0x0], $0xffff  }
0x2d0: {  	v10 =	vsel vm5, $0x6, v10;
	v9 =	vsel vm2, v12, v9  }
0x2d1: {  	v10 =	vsel vm6, $0x7, v10;
	vm3 =	vgt.f32 v14, v9;
	v12 =	vld.idx.msk [tilespmem:v21+s1+$0x0], $0xffff  }
0x2d2: {  	v10 =	vsel vm7, $0x8, v10;
	v9 =	vsel vm3, v14, v9  }
0x2d3: {  	v10 =	vsel vm0, $0x9, v10;
	vm0 =	vgt.f32 v11, v9;
	v14 =	vld.idx.msk [tilespmem:v22+s1+$0x0], $0xffff  }
0x2d4: {  	v10 =	vsel vm1, $0xA, v10;
	v9 =	vsel vm0, v11, v9  }
0x2d5: {  	v10 =	vsel vm2, $0xB, v10;
	vm1 =	vgt.f32 v13, v9  }
0x2d6: {  	v10 =	vsel vm3, $0xC, v10;
	v9 =	vsel vm1, v13, v9  }
0x2d7: {  	v10 =	vsel vm0, $0xD, v10;
	vm0 =	vgt.f32 v12, v9  }
0x2d8: {  	v10 =	vsel vm1, $0xE, v10;
	v9 =	vsel vm0, v12, v9  }
0x2d9: {  	v10 =	vsel vm0, $0xF, v10;
	vm0 =	vgt.f32 v14, v9  }
0x2da: {  	v9 =	vsel vm0, v14, v9;
	v10 =	vsel vm0, $0x10, v10  }
0x2db: {  	v9 =	vsub.f32 $0.0e+00, v9;
	v11 =	vor.u32 v8, v10;
	v12 =	vadd.s32 v8, v10  }
0x2dc: {  	v12 =	vadd.s32 $0x11, v12  }
0x2dd: {  	v9 =	vmul.f32 $1.442695020e+00, v9;
	_ =	sdelay $0x1  }
0x2de: {  	(erf) = vpow2.f32 v9;
	_ =	sdelay $0x8  }
0x2df: {  	v9 =	vpop (erf)  }
0x2e0: {  	v10 =	vcvt.s32.f32 v10;
	v9 =	vadd.f32 $1.000000000e+00, v9;
	v12 =	vld.idx.msk [tilespmem:v12+s13+$0x0], $0xffff  }
0x2e1: {  	v13 =	vor.u32 s0, v4;
	s0 =	smov.u32 s7;
	v11 =	vld.idx.msk [tilespmem:v11+s13+$0x0], $0xffff  }
0x2e2: {  	v13 =	vcvt.s32.f32 v13;
	[tilespmem:v8+s20+$0x0] =	vst.idx.msk $0xffff, v10;
	(erf) = vrcp.f32 v9;
	_ =	sdelay $0x1  }
0x2e3: {  	v8 =	vmul.f32 $4.000000000e+00, v13;
	_ =	sdelay $0x1  }
0x2e4: {  	v8 =	vadd.f32 v12, v8  }
0x2e5: {  	v9 =	vadd.f32 v11, v1  }
0x2e6: {  	v10 =	vmov s0;
	v8 =	vtrunc.f32 v8  }
.Ltmp4:
0x2e7: {  	v10 =	vshll.u32 v10, $0x7;
	v12 =	vcvt.f32.s32 v8;
	v9 =	vtrunc.f32 v9;
	(pc) =	sbr.rel @p0 .LBB2_10-.Ltmp4, $4  }
0x2e8: {  	v8 =	vor.u32 v2, v10;
	v9 =	vcvt.f32.s32 v9  }
0x2e9: {  	v14 =	vor.u32 $0x1, v8;
	v13 =	vor.u32 $0x4, v8;
	v16 =	vcvt.s32.f32 v12;
	v11 =	vpop (erf)  }
0x2ea: {  	v10 =	vor.u32 $0x7, v8;
	v12 =	vor.u32 $0x6, v8;
	v15 =	vcvt.s32.f32 v9;
	[tilespmem:v7+s20+$0x0] =	vst.idx.msk $0xffff, v11;
	v7 =	vmovc v14  }
0x2eb: {  	v9 =	vor.u32 $0x9, v8;
	v11 =	vor.u32 $0x8, v8;
	[tilespmem:v6+s20+$0x0] =	vst.idx.msk $0xffff, v16;
	v6 =	vor.u32 $0x2, v8  }
0x2ec: {  	_ =	sdelay $0x3  }
0x2ed: {  	[tilespmem:v5+s20+$0x0] =	vst.idx.msk $0xffff, v15  }
0x2ee: {  	v47 =	vor.u32 $0x3, v8;
	v5 =	vld.idx.msk [tilespmem:v8+s1+$0x0], $0xffff  }
0x2ef: {  	v14 =	vld.idx.msk [tilespmem:v14+s1+$0x0], $0xffff;
	_ =	sdelay $0x1  }
0x2f0: {  	v16 =	vld.idx.msk [tilespmem:v6+s1+$0x0], $0xffff  }
0x2f1: {  	v17 =	vor.u32 $0x5, v8  }
0x2f2: {  	v18 =	vld.idx.msk [tilespmem:v47+s1+$0x0], $0xffff  }
0x2f3: {  	vm0 =	vgt.f32 v14, v5  }
0x2f4: {  	v13 =	vld.idx.msk [tilespmem:v13+s1+$0x0], $0xffff;
	v5 =	vsel vm0, v14, v5  }
0x2f5: {  	vm1 =	vgt.f32 v16, v5  }
0x2f6: {  	v48 =	vld.idx.msk [tilespmem:v17+s1+$0x0], $0xffff;
	v5 =	vsel vm1, v16, v5  }
0x2f7: {  	vm2 =	vgt.f32 v18, v5  }
0x2f8: {  	v12 =	vld.idx.msk [tilespmem:v12+s1+$0x0], $0xffff;
	v5 =	vsel vm2, v18, v5  }
0x2f9: {  	vm3 =	vgt.f32 v13, v5  }
0x2fa: {  	v10 =	vld.idx.msk [tilespmem:v10+s1+$0x0], $0xffff;
	v5 =	vsel vm3, v13, v5  }
0x2fb: {  	v49 =	vor.u32 $0xA, v8;
	vm4 =	vgt.f32 v48, v5  }
0x2fc: {  	v11 =	vld.idx.msk [tilespmem:v11+s1+$0x0], $0xffff;
	v5 =	vsel vm4, v48, v5  }
0x2fd: {  	v50 =	vor.u32 $0xB, v8;
	vm5 =	vgt.f32 v12, v5  }
0x2fe: {  	v9 =	vld.idx.msk [tilespmem:v9+s1+$0x0], $0xffff;
	v5 =	vsel vm5, v12, v5  }
0x2ff: {  	v51 =	vor.u32 $0xC, v8;
	vm6 =	vgt.f32 v10, v5  }
0x300: {  	v13 =	vld.idx.msk [tilespmem:v49+s1+$0x0], $0xffff;
	v5 =	vsel vm6, v10, v5  }
0x301: {  	v52 =	vor.u32 $0xD, v8;
	vm7 =	vgt.f32 v11, v5  }
0x302: {  	v14 =	vld.idx.msk [tilespmem:v50+s1+$0x0], $0xffff;
	v5 =	vsel vm7, v11, v5  }
0x303: {  	v53 =	vor.u32 $0xE, v8;
	vm8 =	vgt.f32 v9, v5  }
0x304: {  	v12 =	vld.idx.msk [tilespmem:v51+s1+$0x0], $0xffff;
	v5 =	vsel vm8, v9, v5  }
0x305: {  	v54 =	vor.u32 $0xF, v8;
	vm9 =	vgt.f32 v13, v5  }
0x306: {  	v10 =	vld.idx.msk [tilespmem:v52+s1+$0x0], $0xffff;
	v5 =	vsel vm9, v13, v5  }
0x307: {  	v55 =	vor.u32 $0x10, v8;
	vm10 =	vgt.f32 v14, v5  }
0x308: {  	v11 =	vld.idx.msk [tilespmem:v53+s1+$0x0], $0xffff;
	v5 =	vsel vm10, v14, v5  }
0x309: {  	vm11 =	vgt.f32 v12, v5  }
0x30a: {  	v9 =	vld.idx.msk [tilespmem:v54+s1+$0x0], $0xffff;
	v5 =	vsel vm11, v12, v5  }
0x30b: {  	vm12 =	vgt.f32 v10, v5  }
0x30c: {  	v56 =	vsel vm0, $0x1, v3;
	v13 =	vld.idx.msk [tilespmem:v55+s1+$0x0], $0xffff;
	v5 =	vsel vm12, v10, v5  }
0x30d: {  	v57 =	vsel vm1, $0x2, v56;
	vm13 =	vgt.f32 v11, v5  }
0x30e: {  	v10 =	vsel vm2, $0x3, v57;
	v5 =	vsel vm13, v11, v5  }
0x30f: {  	v10 =	vsel vm3, $0x4, v10;
	vm14 =	vgt.f32 v9, v5  }
0x310: {  	v10 =	vsel vm4, $0x5, v10;
	v5 =	vsel vm14, v9, v5  }
0x311: {  	v58 =	vsel vm5, $0x6, v10;
	vm15 =	vgt.f32 v13, v5  }
0x312: {  	v9 =	vsel vm6, $0x7, v58;
	v5 =	vsel vm15, v13, v5  }
0x313: {  	v9 =	vsel vm7, $0x8, v9;
	v5 =	vsub.f32 $0.0e+00, v5  }
0x314: {  	v9 =	vsel vm8, $0x9, v9  }
0x315: {  	v9 =	vsel vm9, $0xA, v9;
	v5 =	vmul.f32 $1.442695020e+00, v5  }
0x316: {  	v9 =	vsel vm10, $0xB, v9  }
0x317: {  	v9 =	vsel vm11, $0xC, v9;
	(erf) = vpow2.f32 v5  }
0x318: {  	v5 =	vsel vm12, $0xD, v9  }
0x319: {  	v5 =	vsel vm13, $0xE, v5  }
0x31a: {  	v5 =	vsel vm14, $0xF, v5  }
0x31b: {  	v5 =	vsel vm15, $0x10, v5  }
0x31c: {  	v59 =	vadd.s32 v8, v5  }
0x31d: {  	v9 =	vadd.s32 $0x11, v59  }
0x31e: {  	v60 =	vor.u32 v8, v5;
	_ =	sdelay $0x1  }
0x31f: {  	v61 =	vpop (erf)  }
0x320: {  	v11 =	vadd.f32 $1.000000000e+00, v61  }
0x321: {  	v4 =	vor.u32 s0, v4;
	v9 =	vld.idx.msk [tilespmem:v9+s13+$0x0], $0xffff  }
0x322: {  	v4 =	vcvt.s32.f32 v4;
	v10 =	vld.idx.msk [tilespmem:v60+s13+$0x0], $0xffff;
	(erf) = vrcp.f32 v11;
	_ =	sdelay $0x1  }
0x323: {  	v4 =	vmul.f32 $4.000000000e+00, v4;
	_ =	sdelay $0x1  }
0x324: {  	v4 =	vadd.f32 v9, v4  }
0x325: {  	v5 =	vcvt.s32.f32 v5;
	v62 =	vadd.f32 v10, v1  }
0x326: {  	v4 =	vtrunc.f32 v4  }
0x327: {  	v9 =	vtrunc.f32 v62;
	v4 =	vcvt.f32.s32 v4  }
0x328: {  	v9 =	vcvt.f32.s32 v9  }
0x329: {  	[tilespmem:v8+s20+$0x0] =	vst.idx.msk $0xffff, v5;
	v4 =	vcvt.s32.f32 v4;
	v5 =	vpop (erf)  }
0x32a: {  	s26 =	sadd.s32 $0x1, s26;
	v63 =	vcvt.s32.f32 v9;
	[tilespmem:v7+s20+$0x0] =	vst.idx.msk $0xffff, v5  }
0x32b: {  	p0 =	sne.s32 s26, s12;
	[tilespmem:v6+s20+$0x0] =	vst.idx.msk $0xffff, v4  }
.Ltmp5:
0x32c: {  	[tilespmem:v47+s20+$0x0] =	vst.idx.msk $0xffff, v63;
	(pc) =	sbr.rel @p0 .LBB2_1-.Ltmp5, $4  }
0x32d: {  	[hbm4b:s11+s1] =	stream.linear.scatter [tilespmem:s20], [sflag:$0x7], $0x4000, $0x38;
	[tilespmem:$0x1C000] =	vst v63  }
0x32e: {  	_ =	swait.ge [sflag:s23], $0x4000  }
0x32f: {  	[sflag:s23] =	ssyncset.done $0x0  }
0x330: {  	[sflag:s23] =	ssyncadd.s32 $0xFFFFC000  }
0x331: {  	_ =	sfence.sel $0x180000  }
0x332: {  	[bflag:$0x0] =	sbarrier.arrive $0xFFFF  }
0x333: {  	_ =	strace $0x90000047  }
0x334: {  	s0 =	stileid.u32;
	[bflag:$0x2] =	sbarrier.arrive $0xFFFF  }
0x335: {  	p0 =	sne.s32 s0, $0x0;
	s0 =	rddreg [dreg:$0x1]  }
0x336: {  	s0 =	sadd.s32 @!p0 $0x100000, s0  }
0x337: {  	[sflag:s0] =	ssyncadd.tile.s32 @!p0 $0x1;
	_ =	shalt  }
.Lfunc_end2:
_tile_overlayer_lowered:
.L_overlay_start_2:
0x338: {  	(tag) =	ssettag $0x2  }
0x339: {  	s0 =	rddreg [dreg:$0x0];
	s2 =	stileid.u32  }
0x33a: {  	s1 =	rddreg [dreg:$0x1];
	p0 =	sne.s32 s2, $0x0  }
0x33b: {  	s3 =	rddreg [dreg:$0x2];
	[bflag:$0x3] =	sbarrier.arrive $0xFFFF;
	s2 =	simm.s32 @!p0 $0x1C08  }
0x33c: {  	[timem:s3], [sflag:s2] =	dma.local @!p0 [hbm:s0], s1  }
0x33d: {  	s0 =	simm.s32 @!p0 $0x8  }
0x33e: {  	_ =	swait.ge @!p0 [sflag:s0], s1  }
0x33f: {  	s1 =	ssub.s32 @!p0 $0x0, s1;
	[sflag:s0] =	ssyncset.done @!p0 $0x0  }
0x340: {  	[sflag:s0] =	ssyncadd.s32 @!p0 s1  }
0x341: {  	[bflag:$0x3] =	sbarrier.arrive $0xFFFF  }
0x342: {  	_ =	shalt  }

</sc_bundles>
